<compile_context>
chip_gen: v7x
topology: tpu7x:2x2x1
jax: 0.10.2.dev20260603
libtpu: 0.0.44.dev20260713+nightly
codegen_flags: <defaults>
</compile_context>

<pallas_src>
import functools

import jax
import jax.numpy as jnp
from jax import lax
from jax.experimental import pallas as pl
from jax.experimental.pallas import tpu as pltpu
from jax.experimental.pallas import tpu_sc as plsc

_NUM_CODES = 512
_DIM = 32
_COMMIT = 0.25
_BLOCK_ROWS = 4096


def _vq_body(x_ref, c2_ref, xn_ref, cn_ref, idx_ref, loss_ref):
    i = pl.program_id(0)
    x = x_ref[...]
    c2 = c2_ref[...]
    xn = xn_ref[...]
    cn = cn_ref[...]
    scores2 = jax.lax.dot_general(
        x, c2, (((1,), (1,)), ((), ())),
        preferred_element_type=jnp.float32)
    lanes = 128
    ntiles = _NUM_CODES // lanes
    runmin = (xn + cn[:, :lanes]) - scores2[:, :lanes]
    runtile = jnp.zeros(runmin.shape, jnp.int32)
    for t in range(1, ntiles):
        d = (xn + cn[:, t * lanes:(t + 1) * lanes]) \
            - scores2[:, t * lanes:(t + 1) * lanes]
        pred = d < runmin
        runtile = jnp.where(pred, t, runtile)
        runmin = jnp.where(pred, d, runmin)
    minv = jnp.min(runmin, axis=1)
    lane_iota = jax.lax.broadcasted_iota(jnp.int32, runmin.shape, 1)
    runidx = runtile * lanes + lane_iota
    is_min = runmin == minv[:, None]
    idx_ref[...] = jnp.min(
        jnp.where(is_min, runidx, _NUM_CODES), axis=1)

    @pl.when(i == 0)
    def _init():
        loss_ref[0, 0] = 0.0

    loss_ref[0, 0] += jnp.sum(minv)


def _tc_argmin(flat, c2, xn, cn):
    n, d = flat.shape
    grid = n // _BLOCK_ROWS
    return pl.pallas_call(
        _vq_body,
        grid=(grid,),
        in_specs=[
            pl.BlockSpec((_BLOCK_ROWS, d), lambda i: (i, 0)),
            pl.BlockSpec((_NUM_CODES, d), lambda i: (0, 0)),
            pl.BlockSpec((_BLOCK_ROWS, 1), lambda i: (i, 0)),
            pl.BlockSpec((1, _NUM_CODES), lambda i: (0, 0)),
        ],
        out_specs=[
            pl.BlockSpec((_BLOCK_ROWS,), lambda i: (i,)),
            pl.BlockSpec(memory_space=pltpu.SMEM),
        ],
        out_shape=[
            jax.ShapeDtypeStruct((n,), jnp.int32),
            jax.ShapeDtypeStruct((1, 1), jnp.float32),
        ],
    )(flat, c2, xn, cn)


_GROW = 256


def _make_sc_gather(n, dp):
    info = plsc.get_sparse_core_info()
    nw = info.num_cores * info.num_subcores
    chunks_per_w = n // (nw * _GROW)
    mesh = plsc.VectorSubcoreMesh(core_axis_name="c", subcore_axis_name="s")

    rows_per_w = n // nw

    @functools.partial(
        pl.kernel, mesh=mesh,
        out_type=jax.ShapeDtypeStruct((n, dp), jnp.float32),
        scratch_types=[
            pltpu.VMEM((rows_per_w,), jnp.int32),
            pltpu.VMEM((_GROW, dp), jnp.float32),
            pltpu.VMEM((_GROW, dp), jnp.float32),
            pltpu.VMEM_SHARED((_NUM_CODES, 128), jnp.float32),
            pltpu.SemaphoreType.DMA,
            pltpu.SemaphoreType.DMA,
        ],
    )
    def gather(table_hbm, idx_hbm, out_hbm, idx_v, rows_a, rows_b,
               table_sh, sg, sw):
        sid = lax.axis_index("s")
        wid = sid * info.num_cores + lax.axis_index("c")
        wbase = wid * rows_per_w

        @pl.when(sid == 0)
        def _stage():
            pltpu.sync_copy(table_hbm, table_sh)

        pltpu.sync_copy(idx_hbm.at[pl.ds(wbase, rows_per_w)], idx_v)
        plsc.subcore_barrier()
        bufs = (rows_a, rows_b)
        g = pltpu.async_copy(
            table_sh.at[idx_v.at[pl.ds(0, _GROW)]], bufs[0], sg)
        writes = []
        for k in range(chunks_per_w):
            g.wait()
            writes.append(pltpu.async_copy(
                bufs[k % 2], out_hbm.at[pl.ds(wbase + k * _GROW, _GROW)], sw))
            if k + 1 < chunks_per_w:
                if k >= 1:
                    writes[k - 1].wait()
                g = pltpu.async_copy(
                    table_sh.at[idx_v.at[pl.ds((k + 1) * _GROW, _GROW)]],
                    bufs[(k + 1) % 2], sg)
        writes[-1].wait()

    return gather


def kernel(z, codebook):
    b0, b1, d = z.shape
    n = b0 * b1
    flat = z.reshape(n, d)
    xn = jnp.sum(flat ** 2, axis=1, keepdims=True)
    cn = jnp.sum(codebook ** 2, axis=1)[None, :]
    c2 = codebook * 2.0
    idx, loss_sum = _tc_argmin(flat, c2, xn, cn)
    table_p = jnp.pad(codebook, ((0, 0), (0, 128 - d)))
    qp = _make_sc_gather(n, 128)(table_p, idx)
    q = qp[:, :d].reshape(z.shape)
    vq_loss = loss_sum[0, 0] * ((1.0 + _COMMIT) / (n * d))
    return q, vq_loss

# --- scband reference (transcript-rebuilt; emitter-appended) ---
"""Pipeline reference for scband-base-sekiro-vqvae-70265664962726 (READ-ONLY COPY).

The authoritative reference and input builder live on the scoring server;
editing this copy changes nothing except your own understanding.
"""

import jax, jax.numpy as jnp
import numpy as np

NUM_EMBEDDINGS = 512
EMBEDDING_DIM = 32
COMMITMENT_COST = 0.25

def setup_inputs(seed: int = 0) -> dict:
    key = jax.random.key(seed)
    k1, k2 = jax.random.split(key)
    z = jax.random.normal(k1, (128, 1024, EMBEDDING_DIM), dtype=jnp.float32)
    # learned codebook parameter (nn.Embedding weight of the VectorQuantizer)
    codebook = jax.random.uniform(k2, (NUM_EMBEDDINGS, EMBEDDING_DIM), dtype=jnp.float32,
                                  minval=-1.0 / NUM_EMBEDDINGS, maxval=1.0 / NUM_EMBEDDINGS)
    return {"z": z, "codebook": codebook}

def reference(z, codebook):
    # encode() is identity (BaseSekiroVQVAE leaves it abstract); z is the latent.
    d = codebook.shape[1]
    flat = z.reshape(-1, d)
    # squared L2 distances to every codebook entry
    dist = (jnp.sum(flat ** 2, axis=1, keepdims=True)
            + jnp.sum(codebook ** 2, axis=1)[None, :]
            - 2.0 * flat @ codebook.T)
    idx = jnp.argmin(dist, axis=1)
    quantized = jnp.take(codebook, idx, axis=0).reshape(z.shape)
    e_latent_loss = jnp.mean((jax.lax.stop_gradient(quantized) - z) ** 2)
    q_latent_loss = jnp.mean((quantized - jax.lax.stop_gradient(z)) ** 2)
    vq_loss = q_latent_loss + COMMITMENT_COST * e_latent_loss
    # straight-through estimator
    quantized_st = z + jax.lax.stop_gradient(quantized - z)
    # decode() is identity (abstract in base class)
    x_recon = quantized_st
    return (x_recon, vq_loss)

if __name__ == "__main__":
    import jax
    _d = setup_inputs()
    print(jax.jit(kernel)(*tuple(_d.values())))

</pallas_src>

<mosaic_0001>
#map = affine_map<(d0, d1) -> (0, 0)>
#map1 = affine_map<(d0, d1) -> (0)>
module attributes {stable_mosaic.version = 14 : i64} {
  func.func @gather(%arg0: i32, %arg1: i32, %arg2: memref<512x128xf32, #tpu.memory_space<hbm>>, %arg3: memref<131072xi32, #tpu.memory_space<hbm>>, %arg4: memref<131072x128xf32, #tpu.memory_space<hbm>>, %arg5: memref<4096xi32, #tpu.memory_space<vmem>>, %arg6: memref<256x128xf32, #tpu.memory_space<vmem>>, %arg7: memref<256x128xf32, #tpu.memory_space<vmem>>, %arg8: memref<512x128xf32, #tpu.memory_space<vmem_shared>>, %arg9: memref<!tpu.dma_semaphore, #tpu.memory_space<semaphore_mem>>, %arg10: memref<!tpu.dma_semaphore, #tpu.memory_space<semaphore_mem>>) attributes {dimension_semantics = [#tpu.dimension_semantics<core_parallel>, #tpu.dimension_semantics<subcore_parallel>], iteration_bounds = array<i64: 2, 16>, scalar_prefetch = 0 : i64, scratch_operands = 6 : i64, tpu.core_type = #tpu.core_type<sc_vector_subcore>, window_params = [{transform_indices = #map}, {transform_indices = #map1}, {transform_indices = #map}]} {
    %mul3A = arith.constant 2 : i32
    %mul3A_0 = arith.muli %arg1, %mul3A : i32
    %add3A = arith.addi %mul3A_0, %arg0 : i32
    %mul3A_1 = arith.constant 4096 : i32
    %mul3A_2 = arith.muli %add3A, %mul3A_1 : i32
    %eq3A = arith.constant 0 : i32
    %eq3A_3 = arith.cmpi eq, %arg1, %eq3A : i32
    %convert_element_type3A = arith.extui %eq3A_3 : i1 to i32
    %cond3A = arith.constant 0 : i32
    %cond3A_4 = arith.cmpi ne, %convert_element_type3A, %cond3A : i32
    scf.if %cond3A_4 {
      "tpu.region"() ({
        %run_scoped3A = tpu.sem_alloc : memref<!tpu.dma_semaphore, #tpu.memory_space<semaphore_mem>>
        tpu.enqueue_dma source(%arg2 : memref<512x128xf32, #tpu.memory_space<hbm>>) target(%arg8 : memref<512x128xf32, #tpu.memory_space<vmem_shared>>) target_semaphore(%run_scoped3A : memref<!tpu.dma_semaphore, #tpu.memory_space<semaphore_mem>>)
        tpu.wait_dma2 semaphore(%run_scoped3A : memref<!tpu.dma_semaphore, #tpu.memory_space<semaphore_mem>>) src(%arg2 : memref<512x128xf32, #tpu.memory_space<hbm>>) dst(%arg8 : memref<512x128xf32, #tpu.memory_space<vmem_shared>>)
        tpu.yield
      }) : () -> ()
    } else {
    }
    "tpu.region"() ({
      %run_scoped3A = tpu.sem_alloc : memref<!tpu.dma_semaphore, #tpu.memory_space<semaphore_mem>>
      %dma_start3A_319 = tpu.memref_slice %arg3[%mul3A_2] : memref<131072xi32, #tpu.memory_space<hbm>> -> memref<4096xi32, #tpu.memory_space<hbm>>
      %dma_start3A_320 = tpu.memref_slice %arg3[%mul3A_2] : memref<131072xi32, #tpu.memory_space<hbm>> -> memref<4096xi32, #tpu.memory_space<hbm>>
      tpu.enqueue_dma source(%dma_start3A_320 : memref<4096xi32, #tpu.memory_space<hbm>>) target(%arg5 : memref<4096xi32, #tpu.memory_space<vmem>>) target_semaphore(%run_scoped3A : memref<!tpu.dma_semaphore, #tpu.memory_space<semaphore_mem>>)
      %dma_wait3A_321 = tpu.memref_slice %arg3[%mul3A_2] : memref<131072xi32, #tpu.memory_space<hbm>> -> memref<4096xi32, #tpu.memory_space<hbm>>
      %dma_wait3A_322 = tpu.memref_slice %arg3[%mul3A_2] : memref<131072xi32, #tpu.memory_space<hbm>> -> memref<4096xi32, #tpu.memory_space<hbm>>
      tpu.wait_dma2 semaphore(%run_scoped3A : memref<!tpu.dma_semaphore, #tpu.memory_space<semaphore_mem>>) src(%dma_wait3A_322 : memref<4096xi32, #tpu.memory_space<hbm>>) dst(%arg5 : memref<4096xi32, #tpu.memory_space<vmem>>)
      tpu.yield
    }) : () -> ()
    %barrier3A = arith.constant 0 : index
    tpu.barrier barrier_id(%barrier3A)
    %dma_start3A = arith.constant 0 : i32
    %dma_start3A_5 = tpu.memref_slice %arg5[%dma_start3A] : memref<4096xi32, #tpu.memory_space<vmem>> -> memref<256xi32, #tpu.memory_space<vmem>>
    %dma_start3A_6 = arith.constant 0 : i32
    %dma_start3A_7 = arith.constant 0 : i32
    %dma_start3A_8 = tpu.memref_slice %arg8[%dma_start3A_6, %dma_start3A_7] : memref<512x128xf32, #tpu.memory_space<vmem_shared>> -> memref<512x128xf32, #tpu.memory_space<vmem_shared>>
    tpu.enqueue_indirect_dma source(%dma_start3A_8 : memref<512x128xf32, #tpu.memory_space<vmem_shared>>) target(%arg6 : memref<256x128xf32, #tpu.memory_space<vmem>>) offsets(%dma_start3A_5 : memref<256xi32, #tpu.memory_space<vmem>>) semaphore(%arg9 : memref<!tpu.dma_semaphore, #tpu.memory_space<semaphore_mem>>)
    %dma_wait3A = arith.constant 0 : i32
    %dma_wait3A_9 = tpu.memref_slice %arg5[%dma_wait3A] : memref<4096xi32, #tpu.memory_space<vmem>> -> memref<256xi32, #tpu.memory_space<vmem>>
    %dma_wait3A_10 = arith.constant 0 : i32
    %dma_wait3A_11 = arith.constant 0 : i32
    %dma_wait3A_12 = tpu.memref_slice %arg8[%dma_wait3A_10, %dma_wait3A_11] : memref<512x128xf32, #tpu.memory_space<vmem_shared>> -> memref<512x128xf32, #tpu.memory_space<vmem_shared>>
    tpu.wait_indirect_dma semaphore(%arg9 : memref<!tpu.dma_semaphore, #tpu.memory_space<semaphore_mem>>) src(%dma_wait3A_12 : memref<512x128xf32, #tpu.memory_space<vmem_shared>>) dst(%arg6 : memref<256x128xf32, #tpu.memory_space<vmem>>)
    %add3A_13 = arith.constant 0 : i32
    %add3A_14 = arith.addi %mul3A_2, %add3A_13 : i32
    %dma_start3A_15 = arith.constant 0 : i32
    %dma_start3A_16 = tpu.memref_slice %arg4[%add3A_14, %dma_start3A_15] : memref<131072x128xf32, #tpu.memory_space<hbm>> -> memref<256x128xf32, #tpu.memory_space<hbm>>
    %dma_start3A_17 = arith.constant 0 : i32
    %dma_start3A_18 = tpu.memref_slice %arg4[%add3A_14, %dma_start3A_17] : memref<131072x128xf32, #tpu.memory_space<hbm>> -> memref<256x128xf32, #tpu.memory_space<hbm>>
    tpu.enqueue_dma source(%arg6 : memref<256x128xf32, #tpu.memory_space<vmem>>) target(%dma_start3A_18 : memref<256x128xf32, #tpu.memory_space<hbm>>) target_semaphore(%arg10 : memref<!tpu.dma_semaphore, #tpu.memory_space<semaphore_mem>>)
    %dma_start3A_19 = arith.constant 256 : i32
    %dma_start3A_20 = tpu.memref_slice %arg5[%dma_start3A_19] : memref<4096xi32, #tpu.memory_space<vmem>> -> memref<256xi32, #tpu.memory_space<vmem>>
    %dma_start3A_21 = arith.constant 0 : i32
    %dma_start3A_22 = arith.constant 0 : i32
    %dma_start3A_23 = tpu.memref_slice %arg8[%dma_start3A_21, %dma_start3A_22] : memref<512x128xf32, #tpu.memory_space<vmem_shared>> -> memref<512x128xf32, #tpu.memory_space<vmem_shared>>
    tpu.enqueue_indirect_dma source(%dma_start3A_23 : memref<512x128xf32, #tpu.memory_space<vmem_shared>>) target(%arg7 : memref<256x128xf32, #tpu.memory_space<vmem>>) offsets(%dma_start3A_20 : memref<256xi32, #tpu.memory_space<vmem>>) semaphore(%arg9 : memref<!tpu.dma_semaphore, #tpu.memory_space<semaphore_mem>>)
    %dma_wait3A_24 = arith.constant 256 : i32
    %dma_wait3A_25 = tpu.memref_slice %arg5[%dma_wait3A_24] : memref<4096xi32, #tpu.memory_space<vmem>> -> memref<256xi32, #tpu.memory_space<vmem>>
    %dma_wait3A_26 = arith.constant 0 : i32
    %dma_wait3A_27 = arith.constant 0 : i32
    %dma_wait3A_28 = tpu.memref_slice %arg8[%dma_wait3A_26, %dma_wait3A_27] : memref<512x128xf32, #tpu.memory_space<vmem_shared>> -> memref<512x128xf32, #tpu.memory_space<vmem_shared>>
    tpu.wait_indirect_dma semaphore(%arg9 : memref<!tpu.dma_semaphore, #tpu.memory_space<semaphore_mem>>) src(%dma_wait3A_28 : memref<512x128xf32, #tpu.memory_space<vmem_shared>>) dst(%arg7 : memref<256x128xf32, #tpu.memory_space<vmem>>)
    %add3A_29 = arith.constant 256 : i32
    %add3A_30 = arith.addi %mul3A_2, %add3A_29 : i32
    %dma_start3A_31 = arith.constant 0 : i32
    %dma_start3A_32 = tpu.memref_slice %arg4[%add3A_30, %dma_start3A_31] : memref<131072x128xf32, #tpu.memory_space<hbm>> -> memref<256x128xf32, #tpu.memory_space<hbm>>
    %dma_start3A_33 = arith.constant 0 : i32
    %dma_start3A_34 = tpu.memref_slice %arg4[%add3A_30, %dma_start3A_33] : memref<131072x128xf32, #tpu.memory_space<hbm>> -> memref<256x128xf32, #tpu.memory_space<hbm>>
    tpu.enqueue_dma source(%arg7 : memref<256x128xf32, #tpu.memory_space<vmem>>) target(%dma_start3A_34 : memref<256x128xf32, #tpu.memory_space<hbm>>) target_semaphore(%arg10 : memref<!tpu.dma_semaphore, #tpu.memory_space<semaphore_mem>>)
    %dma_wait3A_35 = arith.constant 0 : i32
    %dma_wait3A_36 = tpu.memref_slice %arg4[%add3A_14, %dma_wait3A_35] : memref<131072x128xf32, #tpu.memory_space<hbm>> -> memref<256x128xf32, #tpu.memory_space<hbm>>
    %dma_wait3A_37 = arith.constant 0 : i32
    %dma_wait3A_38 = tpu.memref_slice %arg4[%add3A_14, %dma_wait3A_37] : memref<131072x128xf32, #tpu.memory_space<hbm>> -> memref<256x128xf32, #tpu.memory_space<hbm>>
    tpu.wait_dma2 semaphore(%arg10 : memref<!tpu.dma_semaphore, #tpu.memory_space<semaphore_mem>>) src(%arg6 : memref<256x128xf32, #tpu.memory_space<vmem>>) dst(%dma_wait3A_38 : memref<256x128xf32, #tpu.memory_space<hbm>>)
    %dma_start3A_39 = arith.constant 512 : i32
    %dma_start3A_40 = tpu.memref_slice %arg5[%dma_start3A_39] : memref<4096xi32, #tpu.memory_space<vmem>> -> memref<256xi32, #tpu.memory_space<vmem>>
    %dma_start3A_41 = arith.constant 0 : i32
    %dma_start3A_42 = arith.constant 0 : i32
    %dma_start3A_43 = tpu.memref_slice %arg8[%dma_start3A_41, %dma_start3A_42] : memref<512x128xf32, #tpu.memory_space<vmem_shared>> -> memref<512x128xf32, #tpu.memory_space<vmem_shared>>
    tpu.enqueue_indirect_dma source(%dma_start3A_43 : memref<512x128xf32, #tpu.memory_space<vmem_shared>>) target(%arg6 : memref<256x128xf32, #tpu.memory_space<vmem>>) offsets(%dma_start3A_40 : memref<256xi32, #tpu.memory_space<vmem>>) semaphore(%arg9 : memref<!tpu.dma_semaphore, #tpu.memory_space<semaphore_mem>>)
    %dma_wait3A_44 = arith.constant 512 : i32
    %dma_wait3A_45 = tpu.memref_slice %arg5[%dma_wait3A_44] : memref<4096xi32, #tpu.memory_space<vmem>> -> memref<256xi32, #tpu.memory_space<vmem>>
    %dma_wait3A_46 = arith.constant 0 : i32
    %dma_wait3A_47 = arith.constant 0 : i32
    %dma_wait3A_48 = tpu.memref_slice %arg8[%dma_wait3A_46, %dma_wait3A_47] : memref<512x128xf32, #tpu.memory_space<vmem_shared>> -> memref<512x128xf32, #tpu.memory_space<vmem_shared>>
    tpu.wait_indirect_dma semaphore(%arg9 : memref<!tpu.dma_semaphore, #tpu.memory_space<semaphore_mem>>) src(%dma_wait3A_48 : memref<512x128xf32, #tpu.memory_space<vmem_shared>>) dst(%arg6 : memref<256x128xf32, #tpu.memory_space<vmem>>)
    %add3A_49 = arith.constant 512 : i32
    %add3A_50 = arith.addi %mul3A_2, %add3A_49 : i32
    %dma_start3A_51 = arith.constant 0 : i32
    %dma_start3A_52 = tpu.memref_slice %arg4[%add3A_50, %dma_start3A_51] : memref<131072x128xf32, #tpu.memory_space<hbm>> -> memref<256x128xf32, #tpu.memory_space<hbm>>
    %dma_start3A_53 = arith.constant 0 : i32
    %dma_start3A_54 = tpu.memref_slice %arg4[%add3A_50, %dma_start3A_53] : memref<131072x128xf32, #tpu.memory_space<hbm>> -> memref<256x128xf32, #tpu.memory_space<hbm>>
    tpu.enqueue_dma source(%arg6 : memref<256x128xf32, #tpu.memory_space<vmem>>) target(%dma_start3A_54 : memref<256x128xf32, #tpu.memory_space<hbm>>) target_semaphore(%arg10 : memref<!tpu.dma_semaphore, #tpu.memory_space<semaphore_mem>>)
    %dma_wait3A_55 = arith.constant 0 : i32
    %dma_wait3A_56 = tpu.memref_slice %arg4[%add3A_30, %dma_wait3A_55] : memref<131072x128xf32, #tpu.memory_space<hbm>> -> memref<256x128xf32, #tpu.memory_space<hbm>>
    %dma_wait3A_57 = arith.constant 0 : i32
    %dma_wait3A_58 = tpu.memref_slice %arg4[%add3A_30, %dma_wait3A_57] : memref<131072x128xf32, #tpu.memory_space<hbm>> -> memref<256x128xf32, #tpu.memory_space<hbm>>
    tpu.wait_dma2 semaphore(%arg10 : memref<!tpu.dma_semaphore, #tpu.memory_space<semaphore_mem>>) src(%arg7 : memref<256x128xf32, #tpu.memory_space<vmem>>) dst(%dma_wait3A_58 : memref<256x128xf32, #tpu.memory_space<hbm>>)
    %dma_start3A_59 = arith.constant 768 : i32
    %dma_start3A_60 = tpu.memref_slice %arg5[%dma_start3A_59] : memref<4096xi32, #tpu.memory_space<vmem>> -> memref<256xi32, #tpu.memory_space<vmem>>
    %dma_start3A_61 = arith.constant 0 : i32
    %dma_start3A_62 = arith.constant 0 : i32
    %dma_start3A_63 = tpu.memref_slice %arg8[%dma_start3A_61, %dma_start3A_62] : memref<512x128xf32, #tpu.memory_space<vmem_shared>> -> memref<512x128xf32, #tpu.memory_space<vmem_shared>>
    tpu.enqueue_indirect_dma source(%dma_start3A_63 : memref<512x128xf32, #tpu.memory_space<vmem_shared>>) target(%arg7 : memref<256x128xf32, #tpu.memory_space<vmem>>) offsets(%dma_start3A_60 : memref<256xi32, #tpu.memory_space<vmem>>) semaphore(%arg9 : memref<!tpu.dma_semaphore, #tpu.memory_space<semaphore_mem>>)
    %dma_wait3A_64 = arith.constant 768 : i32
    %dma_wait3A_65 = tpu.memref_slice %arg5[%dma_wait3A_64] : memref<4096xi32, #tpu.memory_space<vmem>> -> memref<256xi32, #tpu.memory_space<vmem>>
    %dma_wait3A_66 = arith.constant 0 : i32
    %dma_wait3A_67 = arith.constant 0 : i32
    %dma_wait3A_68 = tpu.memref_slice %arg8[%dma_wait3A_66, %dma_wait3A_67] : memref<512x128xf32, #tpu.memory_space<vmem_shared>> -> memref<512x128xf32, #tpu.memory_space<vmem_shared>>
    tpu.wait_indirect_dma semaphore(%arg9 : memref<!tpu.dma_semaphore, #tpu.memory_space<semaphore_mem>>) src(%dma_wait3A_68 : memref<512x128xf32, #tpu.memory_space<vmem_shared>>) dst(%arg7 : memref<256x128xf32, #tpu.memory_space<vmem>>)
    %add3A_69 = arith.constant 768 : i32
    %add3A_70 = arith.addi %mul3A_2, %add3A_69 : i32
    %dma_start3A_71 = arith.constant 0 : i32
    %dma_start3A_72 = tpu.memref_slice %arg4[%add3A_70, %dma_start3A_71] : memref<131072x128xf32, #tpu.memory_space<hbm>> -> memref<256x128xf32, #tpu.memory_space<hbm>>
    %dma_start3A_73 = arith.constant 0 : i32
    %dma_start3A_74 = tpu.memref_slice %arg4[%add3A_70, %dma_start3A_73] : memref<131072x128xf32, #tpu.memory_space<hbm>> -> memref<256x128xf32, #tpu.memory_space<hbm>>
    tpu.enqueue_dma source(%arg7 : memref<256x128xf32, #tpu.memory_space<vmem>>) target(%dma_start3A_74 : memref<256x128xf32, #tpu.memory_space<hbm>>) target_semaphore(%arg10 : memref<!tpu.dma_semaphore, #tpu.memory_space<semaphore_mem>>)
    %dma_wait3A_75 = arith.constant 0 : i32
    %dma_wait3A_76 = tpu.memref_slice %arg4[%add3A_50, %dma_wait3A_75] : memref<131072x128xf32, #tpu.memory_space<hbm>> -> memref<256x128xf32, #tpu.memory_space<hbm>>
    %dma_wait3A_77 = arith.constant 0 : i32
    %dma_wait3A_78 = tpu.memref_slice %arg4[%add3A_50, %dma_wait3A_77] : memref<131072x128xf32, #tpu.memory_space<hbm>> -> memref<256x128xf32, #tpu.memory_space<hbm>>
    tpu.wait_dma2 semaphore(%arg10 : memref<!tpu.dma_semaphore, #tpu.memory_space<semaphore_mem>>) src(%arg6 : memref<256x128xf32, #tpu.memory_space<vmem>>) dst(%dma_wait3A_78 : memref<256x128xf32, #tpu.memory_space<hbm>>)
    %dma_start3A_79 = arith.constant 1024 : i32
    %dma_start3A_80 = tpu.memref_slice %arg5[%dma_start3A_79] : memref<4096xi32, #tpu.memory_space<vmem>> -> memref<256xi32, #tpu.memory_space<vmem>>
    %dma_start3A_81 = arith.constant 0 : i32
    %dma_start3A_82 = arith.constant 0 : i32
    %dma_start3A_83 = tpu.memref_slice %arg8[%dma_start3A_81, %dma_start3A_82] : memref<512x128xf32, #tpu.memory_space<vmem_shared>> -> memref<512x128xf32, #tpu.memory_space<vmem_shared>>
    tpu.enqueue_indirect_dma source(%dma_start3A_83 : memref<512x128xf32, #tpu.memory_space<vmem_shared>>) target(%arg6 : memref<256x128xf32, #tpu.memory_space<vmem>>) offsets(%dma_start3A_80 : memref<256xi32, #tpu.memory_space<vmem>>) semaphore(%arg9 : memref<!tpu.dma_semaphore, #tpu.memory_space<semaphore_mem>>)
    %dma_wait3A_84 = arith.constant 1024 : i32
    %dma_wait3A_85 = tpu.memref_slice %arg5[%dma_wait3A_84] : memref<4096xi32, #tpu.memory_space<vmem>> -> memref<256xi32, #tpu.memory_space<vmem>>
    %dma_wait3A_86 = arith.constant 0 : i32
    %dma_wait3A_87 = arith.constant 0 : i32
    %dma_wait3A_88 = tpu.memref_slice %arg8[%dma_wait3A_86, %dma_wait3A_87] : memref<512x128xf32, #tpu.memory_space<vmem_shared>> -> memref<512x128xf32, #tpu.memory_space<vmem_shared>>
    tpu.wait_indirect_dma semaphore(%arg9 : memref<!tpu.dma_semaphore, #tpu.memory_space<semaphore_mem>>) src(%dma_wait3A_88 : memref<512x128xf32, #tpu.memory_space<vmem_shared>>) dst(%arg6 : memref<256x128xf32, #tpu.memory_space<vmem>>)
    %add3A_89 = arith.constant 1024 : i32
    %add3A_90 = arith.addi %mul3A_2, %add3A_89 : i32
    %dma_start3A_91 = arith.constant 0 : i32
    %dma_start3A_92 = tpu.memref_slice %arg4[%add3A_90, %dma_start3A_91] : memref<131072x128xf32, #tpu.memory_space<hbm>> -> memref<256x128xf32, #tpu.memory_space<hbm>>
    %dma_start3A_93 = arith.constant 0 : i32
    %dma_start3A_94 = tpu.memref_slice %arg4[%add3A_90, %dma_start3A_93] : memref<131072x128xf32, #tpu.memory_space<hbm>> -> memref<256x128xf32, #tpu.memory_space<hbm>>
    tpu.enqueue_dma source(%arg6 : memref<256x128xf32, #tpu.memory_space<vmem>>) target(%dma_start3A_94 : memref<256x128xf32, #tpu.memory_space<hbm>>) target_semaphore(%arg10 : memref<!tpu.dma_semaphore, #tpu.memory_space<semaphore_mem>>)
    %dma_wait3A_95 = arith.constant 0 : i32
    %dma_wait3A_96 = tpu.memref_slice %arg4[%add3A_70, %dma_wait3A_95] : memref<131072x128xf32, #tpu.memory_space<hbm>> -> memref<256x128xf32, #tpu.memory_space<hbm>>
    %dma_wait3A_97 = arith.constant 0 : i32
    %dma_wait3A_98 = tpu.memref_slice %arg4[%add3A_70, %dma_wait3A_97] : memref<131072x128xf32, #tpu.memory_space<hbm>> -> memref<256x128xf32, #tpu.memory_space<hbm>>
    tpu.wait_dma2 semaphore(%arg10 : memref<!tpu.dma_semaphore, #tpu.memory_space<semaphore_mem>>) src(%arg7 : memref<256x128xf32, #tpu.memory_space<vmem>>) dst(%dma_wait3A_98 : memref<256x128xf32, #tpu.memory_space<hbm>>)
    %dma_start3A_99 = arith.constant 1280 : i32
    %dma_start3A_100 = tpu.memref_slice %arg5[%dma_start3A_99] : memref<4096xi32, #tpu.memory_space<vmem>> -> memref<256xi32, #tpu.memory_space<vmem>>
    %dma_start3A_101 = arith.constant 0 : i32
    %dma_start3A_102 = arith.constant 0 : i32
    %dma_start3A_103 = tpu.memref_slice %arg8[%dma_start3A_101, %dma_start3A_102] : memref<512x128xf32, #tpu.memory_space<vmem_shared>> -> memref<512x128xf32, #tpu.memory_space<vmem_shared>>
    tpu.enqueue_indirect_dma source(%dma_start3A_103 : memref<512x128xf32, #tpu.memory_space<vmem_shared>>) target(%arg7 : memref<256x128xf32, #tpu.memory_space<vmem>>) offsets(%dma_start3A_100 : memref<256xi32, #tpu.memory_space<vmem>>) semaphore(%arg9 : memref<!tpu.dma_semaphore, #tpu.memory_space<semaphore_mem>>)
    %dma_wait3A_104 = arith.constant 1280 : i32
    %dma_wait3A_105 = tpu.memref_slice %arg5[%dma_wait3A_104] : memref<4096xi32, #tpu.memory_space<vmem>> -> memref<256xi32, #tpu.memory_space<vmem>>
    %dma_wait3A_106 = arith.constant 0 : i32
    %dma_wait3A_107 = arith.constant 0 : i32
    %dma_wait3A_108 = tpu.memref_slice %arg8[%dma_wait3A_106, %dma_wait3A_107] : memref<512x128xf32, #tpu.memory_space<vmem_shared>> -> memref<512x128xf32, #tpu.memory_space<vmem_shared>>
    tpu.wait_indirect_dma semaphore(%arg9 : memref<!tpu.dma_semaphore, #tpu.memory_space<semaphore_mem>>) src(%dma_wait3A_108 : memref<512x128xf32, #tpu.memory_space<vmem_shared>>) dst(%arg7 : memref<256x128xf32, #tpu.memory_space<vmem>>)
    %add3A_109 = arith.constant 1280 : i32
    %add3A_110 = arith.addi %mul3A_2, %add3A_109 : i32
    %dma_start3A_111 = arith.constant 0 : i32
    %dma_start3A_112 = tpu.memref_slice %arg4[%add3A_110, %dma_start3A_111] : memref<131072x128xf32, #tpu.memory_space<hbm>> -> memref<256x128xf32, #tpu.memory_space<hbm>>
    %dma_start3A_113 = arith.constant 0 : i32
    %dma_start3A_114 = tpu.memref_slice %arg4[%add3A_110, %dma_start3A_113] : memref<131072x128xf32, #tpu.memory_space<hbm>> -> memref<256x128xf32, #tpu.memory_space<hbm>>
    tpu.enqueue_dma source(%arg7 : memref<256x128xf32, #tpu.memory_space<vmem>>) target(%dma_start3A_114 : memref<256x128xf32, #tpu.memory_space<hbm>>) target_semaphore(%arg10 : memref<!tpu.dma_semaphore, #tpu.memory_space<semaphore_mem>>)
    %dma_wait3A_115 = arith.constant 0 : i32
    %dma_wait3A_116 = tpu.memref_slice %arg4[%add3A_90, %dma_wait3A_115] : memref<131072x128xf32, #tpu.memory_space<hbm>> -> memref<256x128xf32, #tpu.memory_space<hbm>>
    %dma_wait3A_117 = arith.constant 0 : i32
    %dma_wait3A_118 = tpu.memref_slice %arg4[%add3A_90, %dma_wait3A_117] : memref<131072x128xf32, #tpu.memory_space<hbm>> -> memref<256x128xf32, #tpu.memory_space<hbm>>
    tpu.wait_dma2 semaphore(%arg10 : memref<!tpu.dma_semaphore, #tpu.memory_space<semaphore_mem>>) src(%arg6 : memref<256x128xf32, #tpu.memory_space<vmem>>) dst(%dma_wait3A_118 : memref<256x128xf32, #tpu.memory_space<hbm>>)
    %dma_start3A_119 = arith.constant 1536 : i32
    %dma_start3A_120 = tpu.memref_slice %arg5[%dma_start3A_119] : memref<4096xi32, #tpu.memory_space<vmem>> -> memref<256xi32, #tpu.memory_space<vmem>>
    %dma_start3A_121 = arith.constant 0 : i32
    %dma_start3A_122 = arith.constant 0 : i32
    %dma_start3A_123 = tpu.memref_slice %arg8[%dma_start3A_121, %dma_start3A_122] : memref<512x128xf32, #tpu.memory_space<vmem_shared>> -> memref<512x128xf32, #tpu.memory_space<vmem_shared>>
    tpu.enqueue_indirect_dma source(%dma_start3A_123 : memref<512x128xf32, #tpu.memory_space<vmem_shared>>) target(%arg6 : memref<256x128xf32, #tpu.memory_space<vmem>>) offsets(%dma_start3A_120 : memref<256xi32, #tpu.memory_space<vmem>>) semaphore(%arg9 : memref<!tpu.dma_semaphore, #tpu.memory_space<semaphore_mem>>)
    %dma_wait3A_124 = arith.constant 1536 : i32
    %dma_wait3A_125 = tpu.memref_slice %arg5[%dma_wait3A_124] : memref<4096xi32, #tpu.memory_space<vmem>> -> memref<256xi32, #tpu.memory_space<vmem>>
    %dma_wait3A_126 = arith.constant 0 : i32
    %dma_wait3A_127 = arith.constant 0 : i32
    %dma_wait3A_128 = tpu.memref_slice %arg8[%dma_wait3A_126, %dma_wait3A_127] : memref<512x128xf32, #tpu.memory_space<vmem_shared>> -> memref<512x128xf32, #tpu.memory_space<vmem_shared>>
    tpu.wait_indirect_dma semaphore(%arg9 : memref<!tpu.dma_semaphore, #tpu.memory_space<semaphore_mem>>) src(%dma_wait3A_128 : memref<512x128xf32, #tpu.memory_space<vmem_shared>>) dst(%arg6 : memref<256x128xf32, #tpu.memory_space<vmem>>)
    %add3A_129 = arith.constant 1536 : i32
    %add3A_130 = arith.addi %mul3A_2, %add3A_129 : i32
    %dma_start3A_131 = arith.constant 0 : i32
    %dma_start3A_132 = tpu.memref_slice %arg4[%add3A_130, %dma_start3A_131] : memref<131072x128xf32, #tpu.memory_space<hbm>> -> memref<256x128xf32, #tpu.memory_space<hbm>>
    %dma_start3A_133 = arith.constant 0 : i32
    %dma_start3A_134 = tpu.memref_slice %arg4[%add3A_130, %dma_start3A_133] : memref<131072x128xf32, #tpu.memory_space<hbm>> -> memref<256x128xf32, #tpu.memory_space<hbm>>
    tpu.enqueue_dma source(%arg6 : memref<256x128xf32, #tpu.memory_space<vmem>>) target(%dma_start3A_134 : memref<256x128xf32, #tpu.memory_space<hbm>>) target_semaphore(%arg10 : memref<!tpu.dma_semaphore, #tpu.memory_space<semaphore_mem>>)
    %dma_wait3A_135 = arith.constant 0 : i32
    %dma_wait3A_136 = tpu.memref_slice %arg4[%add3A_110, %dma_wait3A_135] : memref<131072x128xf32, #tpu.memory_space<hbm>> -> memref<256x128xf32, #tpu.memory_space<hbm>>
    %dma_wait3A_137 = arith.constant 0 : i32
    %dma_wait3A_138 = tpu.memref_slice %arg4[%add3A_110, %dma_wait3A_137] : memref<131072x128xf32, #tpu.memory_space<hbm>> -> memref<256x128xf32, #tpu.memory_space<hbm>>
    tpu.wait_dma2 semaphore(%arg10 : memref<!tpu.dma_semaphore, #tpu.memory_space<semaphore_mem>>) src(%arg7 : memref<256x128xf32, #tpu.memory_space<vmem>>) dst(%dma_wait3A_138 : memref<256x128xf32, #tpu.memory_space<hbm>>)
    %dma_start3A_139 = arith.constant 1792 : i32
    %dma_start3A_140 = tpu.memref_slice %arg5[%dma_start3A_139] : memref<4096xi32, #tpu.memory_space<vmem>> -> memref<256xi32, #tpu.memory_space<vmem>>
    %dma_start3A_141 = arith.constant 0 : i32
    %dma_start3A_142 = arith.constant 0 : i32
    %dma_start3A_143 = tpu.memref_slice %arg8[%dma_start3A_141, %dma_start3A_142] : memref<512x128xf32, #tpu.memory_space<vmem_shared>> -> memref<512x128xf32, #tpu.memory_space<vmem_shared>>
    tpu.enqueue_indirect_dma source(%dma_start3A_143 : memref<512x128xf32, #tpu.memory_space<vmem_shared>>) target(%arg7 : memref<256x128xf32, #tpu.memory_space<vmem>>) offsets(%dma_start3A_140 : memref<256xi32, #tpu.memory_space<vmem>>) semaphore(%arg9 : memref<!tpu.dma_semaphore, #tpu.memory_space<semaphore_mem>>)
    %dma_wait3A_144 = arith.constant 1792 : i32
    %dma_wait3A_145 = tpu.memref_slice %arg5[%dma_wait3A_144] : memref<4096xi32, #tpu.memory_space<vmem>> -> memref<256xi32, #tpu.memory_space<vmem>>
    %dma_wait3A_146 = arith.constant 0 : i32
    %dma_wait3A_147 = arith.constant 0 : i32
    %dma_wait3A_148 = tpu.memref_slice %arg8[%dma_wait3A_146, %dma_wait3A_147] : memref<512x128xf32, #tpu.memory_space<vmem_shared>> -> memref<512x128xf32, #tpu.memory_space<vmem_shared>>
    tpu.wait_indirect_dma semaphore(%arg9 : memref<!tpu.dma_semaphore, #tpu.memory_space<semaphore_mem>>) src(%dma_wait3A_148 : memref<512x128xf32, #tpu.memory_space<vmem_shared>>) dst(%arg7 : memref<256x128xf32, #tpu.memory_space<vmem>>)
    %add3A_149 = arith.constant 1792 : i32
    %add3A_150 = arith.addi %mul3A_2, %add3A_149 : i32
    %dma_start3A_151 = arith.constant 0 : i32
    %dma_start3A_152 = tpu.memref_slice %arg4[%add3A_150, %dma_start3A_151] : memref<131072x128xf32, #tpu.memory_space<hbm>> -> memref<256x128xf32, #tpu.memory_space<hbm>>
    %dma_start3A_153 = arith.constant 0 : i32
    %dma_start3A_154 = tpu.memref_slice %arg4[%add3A_150, %dma_start3A_153] : memref<131072x128xf32, #tpu.memory_space<hbm>> -> memref<256x128xf32, #tpu.memory_space<hbm>>
    tpu.enqueue_dma source(%arg7 : memref<256x128xf32, #tpu.memory_space<vmem>>) target(%dma_start3A_154 : memref<256x128xf32, #tpu.memory_space<hbm>>) target_semaphore(%arg10 : memref<!tpu.dma_semaphore, #tpu.memory_space<semaphore_mem>>)
    %dma_wait3A_155 = arith.constant 0 : i32
    %dma_wait3A_156 = tpu.memref_slice %arg4[%add3A_130, %dma_wait3A_155] : memref<131072x128xf32, #tpu.memory_space<hbm>> -> memref<256x128xf32, #tpu.memory_space<hbm>>
    %dma_wait3A_157 = arith.constant 0 : i32
    %dma_wait3A_158 = tpu.memref_slice %arg4[%add3A_130, %dma_wait3A_157] : memref<131072x128xf32, #tpu.memory_space<hbm>> -> memref<256x128xf32, #tpu.memory_space<hbm>>
    tpu.wait_dma2 semaphore(%arg10 : memref<!tpu.dma_semaphore, #tpu.memory_space<semaphore_mem>>) src(%arg6 : memref<256x128xf32, #tpu.memory_space<vmem>>) dst(%dma_wait3A_158 : memref<256x128xf32, #tpu.memory_space<hbm>>)
    %dma_start3A_159 = arith.constant 2048 : i32
    %dma_start3A_160 = tpu.memref_slice %arg5[%dma_start3A_159] : memref<4096xi32, #tpu.memory_space<vmem>> -> memref<256xi32, #tpu.memory_space<vmem>>
    %dma_start3A_161 = arith.constant 0 : i32
    %dma_start3A_162 = arith.constant 0 : i32
    %dma_start3A_163 = tpu.memref_slice %arg8[%dma_start3A_161, %dma_start3A_162] : memref<512x128xf32, #tpu.memory_space<vmem_shared>> -> memref<512x128xf32, #tpu.memory_space<vmem_shared>>
    tpu.enqueue_indirect_dma source(%dma_start3A_163 : memref<512x128xf32, #tpu.memory_space<vmem_shared>>) target(%arg6 : memref<256x128xf32, #tpu.memory_space<vmem>>) offsets(%dma_start3A_160 : memref<256xi32, #tpu.memory_space<vmem>>) semaphore(%arg9 : memref<!tpu.dma_semaphore, #tpu.memory_space<semaphore_mem>>)
    %dma_wait3A_164 = arith.constant 2048 : i32
    %dma_wait3A_165 = tpu.memref_slice %arg5[%dma_wait3A_164] : memref<4096xi32, #tpu.memory_space<vmem>> -> memref<256xi32, #tpu.memory_space<vmem>>
    %dma_wait3A_166 = arith.constant 0 : i32
    %dma_wait3A_167 = arith.constant 0 : i32
    %dma_wait3A_168 = tpu.memref_slice %arg8[%dma_wait3A_166, %dma_wait3A_167] : memref<512x128xf32, #tpu.memory_space<vmem_shared>> -> memref<512x128xf32, #tpu.memory_space<vmem_shared>>
    tpu.wait_indirect_dma semaphore(%arg9 : memref<!tpu.dma_semaphore, #tpu.memory_space<semaphore_mem>>) src(%dma_wait3A_168 : memref<512x128xf32, #tpu.memory_space<vmem_shared>>) dst(%arg6 : memref<256x128xf32, #tpu.memory_space<vmem>>)
    %add3A_169 = arith.constant 2048 : i32
    %add3A_170 = arith.addi %mul3A_2, %add3A_169 : i32
    %dma_start3A_171 = arith.constant 0 : i32
    %dma_start3A_172 = tpu.memref_slice %arg4[%add3A_170, %dma_start3A_171] : memref<131072x128xf32, #tpu.memory_space<hbm>> -> memref<256x128xf32, #tpu.memory_space<hbm>>
    %dma_start3A_173 = arith.constant 0 : i32
    %dma_start3A_174 = tpu.memref_slice %arg4[%add3A_170, %dma_start3A_173] : memref<131072x128xf32, #tpu.memory_space<hbm>> -> memref<256x128xf32, #tpu.memory_space<hbm>>
    tpu.enqueue_dma source(%arg6 : memref<256x128xf32, #tpu.memory_space<vmem>>) target(%dma_start3A_174 : memref<256x128xf32, #tpu.memory_space<hbm>>) target_semaphore(%arg10 : memref<!tpu.dma_semaphore, #tpu.memory_space<semaphore_mem>>)
    %dma_wait3A_175 = arith.constant 0 : i32
    %dma_wait3A_176 = tpu.memref_slice %arg4[%add3A_150, %dma_wait3A_175] : memref<131072x128xf32, #tpu.memory_space<hbm>> -> memref<256x128xf32, #tpu.memory_space<hbm>>
    %dma_wait3A_177 = arith.constant 0 : i32
    %dma_wait3A_178 = tpu.memref_slice %arg4[%add3A_150, %dma_wait3A_177] : memref<131072x128xf32, #tpu.memory_space<hbm>> -> memref<256x128xf32, #tpu.memory_space<hbm>>
    tpu.wait_dma2 semaphore(%arg10 : memref<!tpu.dma_semaphore, #tpu.memory_space<semaphore_mem>>) src(%arg7 : memref<256x128xf32, #tpu.memory_space<vmem>>) dst(%dma_wait3A_178 : memref<256x128xf32, #tpu.memory_space<hbm>>)
    %dma_start3A_179 = arith.constant 2304 : i32
    %dma_start3A_180 = tpu.memref_slice %arg5[%dma_start3A_179] : memref<4096xi32, #tpu.memory_space<vmem>> -> memref<256xi32, #tpu.memory_space<vmem>>
    %dma_start3A_181 = arith.constant 0 : i32
    %dma_start3A_182 = arith.constant 0 : i32
    %dma_start3A_183 = tpu.memref_slice %arg8[%dma_start3A_181, %dma_start3A_182] : memref<512x128xf32, #tpu.memory_space<vmem_shared>> -> memref<512x128xf32, #tpu.memory_space<vmem_shared>>
    tpu.enqueue_indirect_dma source(%dma_start3A_183 : memref<512x128xf32, #tpu.memory_space<vmem_shared>>) target(%arg7 : memref<256x128xf32, #tpu.memory_space<vmem>>) offsets(%dma_start3A_180 : memref<256xi32, #tpu.memory_space<vmem>>) semaphore(%arg9 : memref<!tpu.dma_semaphore, #tpu.memory_space<semaphore_mem>>)
    %dma_wait3A_184 = arith.constant 2304 : i32
    %dma_wait3A_185 = tpu.memref_slice %arg5[%dma_wait3A_184] : memref<4096xi32, #tpu.memory_space<vmem>> -> memref<256xi32, #tpu.memory_space<vmem>>
    %dma_wait3A_186 = arith.constant 0 : i32
    %dma_wait3A_187 = arith.constant 0 : i32
    %dma_wait3A_188 = tpu.memref_slice %arg8[%dma_wait3A_186, %dma_wait3A_187] : memref<512x128xf32, #tpu.memory_space<vmem_shared>> -> memref<512x128xf32, #tpu.memory_space<vmem_shared>>
    tpu.wait_indirect_dma semaphore(%arg9 : memref<!tpu.dma_semaphore, #tpu.memory_space<semaphore_mem>>) src(%dma_wait3A_188 : memref<512x128xf32, #tpu.memory_space<vmem_shared>>) dst(%arg7 : memref<256x128xf32, #tpu.memory_space<vmem>>)
    %add3A_189 = arith.constant 2304 : i32
    %add3A_190 = arith.addi %mul3A_2, %add3A_189 : i32
    %dma_start3A_191 = arith.constant 0 : i32
    %dma_start3A_192 = tpu.memref_slice %arg4[%add3A_190, %dma_start3A_191] : memref<131072x128xf32, #tpu.memory_space<hbm>> -> memref<256x128xf32, #tpu.memory_space<hbm>>
    %dma_start3A_193 = arith.constant 0 : i32
    %dma_start3A_194 = tpu.memref_slice %arg4[%add3A_190, %dma_start3A_193] : memref<131072x128xf32, #tpu.memory_space<hbm>> -> memref<256x128xf32, #tpu.memory_space<hbm>>
    tpu.enqueue_dma source(%arg7 : memref<256x128xf32, #tpu.memory_space<vmem>>) target(%dma_start3A_194 : memref<256x128xf32, #tpu.memory_space<hbm>>) target_semaphore(%arg10 : memref<!tpu.dma_semaphore, #tpu.memory_space<semaphore_mem>>)
    %dma_wait3A_195 = arith.constant 0 : i32
    %dma_wait3A_196 = tpu.memref_slice %arg4[%add3A_170, %dma_wait3A_195] : memref<131072x128xf32, #tpu.memory_space<hbm>> -> memref<256x128xf32, #tpu.memory_space<hbm>>
    %dma_wait3A_197 = arith.constant 0 : i32
    %dma_wait3A_198 = tpu.memref_slice %arg4[%add3A_170, %dma_wait3A_197] : memref<131072x128xf32, #tpu.memory_space<hbm>> -> memref<256x128xf32, #tpu.memory_space<hbm>>
    tpu.wait_dma2 semaphore(%arg10 : memref<!tpu.dma_semaphore, #tpu.memory_space<semaphore_mem>>) src(%arg6 : memref<256x128xf32, #tpu.memory_space<vmem>>) dst(%dma_wait3A_198 : memref<256x128xf32, #tpu.memory_space<hbm>>)
    %dma_start3A_199 = arith.constant 2560 : i32
    %dma_start3A_200 = tpu.memref_slice %arg5[%dma_start3A_199] : memref<4096xi32, #tpu.memory_space<vmem>> -> memref<256xi32, #tpu.memory_space<vmem>>
    %dma_start3A_201 = arith.constant 0 : i32
    %dma_start3A_202 = arith.constant 0 : i32
    %dma_start3A_203 = tpu.memref_slice %arg8[%dma_start3A_201, %dma_start3A_202] : memref<512x128xf32, #tpu.memory_space<vmem_shared>> -> memref<512x128xf32, #tpu.memory_space<vmem_shared>>
    tpu.enqueue_indirect_dma source(%dma_start3A_203 : memref<512x128xf32, #tpu.memory_space<vmem_shared>>) target(%arg6 : memref<256x128xf32, #tpu.memory_space<vmem>>) offsets(%dma_start3A_200 : memref<256xi32, #tpu.memory_space<vmem>>) semaphore(%arg9 : memref<!tpu.dma_semaphore, #tpu.memory_space<semaphore_mem>>)
    %dma_wait3A_204 = arith.constant 2560 : i32
    %dma_wait3A_205 = tpu.memref_slice %arg5[%dma_wait3A_204] : memref<4096xi32, #tpu.memory_space<vmem>> -> memref<256xi32, #tpu.memory_space<vmem>>
    %dma_wait3A_206 = arith.constant 0 : i32
    %dma_wait3A_207 = arith.constant 0 : i32
    %dma_wait3A_208 = tpu.memref_slice %arg8[%dma_wait3A_206, %dma_wait3A_207] : memref<512x128xf32, #tpu.memory_space<vmem_shared>> -> memref<512x128xf32, #tpu.memory_space<vmem_shared>>
    tpu.wait_indirect_dma semaphore(%arg9 : memref<!tpu.dma_semaphore, #tpu.memory_space<semaphore_mem>>) src(%dma_wait3A_208 : memref<512x128xf32, #tpu.memory_space<vmem_shared>>) dst(%arg6 : memref<256x128xf32, #tpu.memory_space<vmem>>)
    %add3A_209 = arith.constant 2560 : i32
    %add3A_210 = arith.addi %mul3A_2, %add3A_209 : i32
    %dma_start3A_211 = arith.constant 0 : i32
    %dma_start3A_212 = tpu.memref_slice %arg4[%add3A_210, %dma_start3A_211] : memref<131072x128xf32, #tpu.memory_space<hbm>> -> memref<256x128xf32, #tpu.memory_space<hbm>>
    %dma_start3A_213 = arith.constant 0 : i32
    %dma_start3A_214 = tpu.memref_slice %arg4[%add3A_210, %dma_start3A_213] : memref<131072x128xf32, #tpu.memory_space<hbm>> -> memref<256x128xf32, #tpu.memory_space<hbm>>
    tpu.enqueue_dma source(%arg6 : memref<256x128xf32, #tpu.memory_space<vmem>>) target(%dma_start3A_214 : memref<256x128xf32, #tpu.memory_space<hbm>>) target_semaphore(%arg10 : memref<!tpu.dma_semaphore, #tpu.memory_space<semaphore_mem>>)
    %dma_wait3A_215 = arith.constant 0 : i32
    %dma_wait3A_216 = tpu.memref_slice %arg4[%add3A_190, %dma_wait3A_215] : memref<131072x128xf32, #tpu.memory_space<hbm>> -> memref<256x128xf32, #tpu.memory_space<hbm>>
    %dma_wait3A_217 = arith.constant 0 : i32
    %dma_wait3A_218 = tpu.memref_slice %arg4[%add3A_190, %dma_wait3A_217] : memref<131072x128xf32, #tpu.memory_space<hbm>> -> memref<256x128xf32, #tpu.memory_space<hbm>>
    tpu.wait_dma2 semaphore(%arg10 : memref<!tpu.dma_semaphore, #tpu.memory_space<semaphore_mem>>) src(%arg7 : memref<256x128xf32, #tpu.memory_space<vmem>>) dst(%dma_wait3A_218 : memref<256x128xf32, #tpu.memory_space<hbm>>)
    %dma_start3A_219 = arith.constant 2816 : i32
    %dma_start3A_220 = tpu.memref_slice %arg5[%dma_start3A_219] : memref<4096xi32, #tpu.memory_space<vmem>> -> memref<256xi32, #tpu.memory_space<vmem>>
    %dma_start3A_221 = arith.constant 0 : i32
    %dma_start3A_222 = arith.constant 0 : i32
    %dma_start3A_223 = tpu.memref_slice %arg8[%dma_start3A_221, %dma_start3A_222] : memref<512x128xf32, #tpu.memory_space<vmem_shared>> -> memref<512x128xf32, #tpu.memory_space<vmem_shared>>
    tpu.enqueue_indirect_dma source(%dma_start3A_223 : memref<512x128xf32, #tpu.memory_space<vmem_shared>>) target(%arg7 : memref<256x128xf32, #tpu.memory_space<vmem>>) offsets(%dma_start3A_220 : memref<256xi32, #tpu.memory_space<vmem>>) semaphore(%arg9 : memref<!tpu.dma_semaphore, #tpu.memory_space<semaphore_mem>>)
    %dma_wait3A_224 = arith.constant 2816 : i32
    %dma_wait3A_225 = tpu.memref_slice %arg5[%dma_wait3A_224] : memref<4096xi32, #tpu.memory_space<vmem>> -> memref<256xi32, #tpu.memory_space<vmem>>
    %dma_wait3A_226 = arith.constant 0 : i32
    %dma_wait3A_227 = arith.constant 0 : i32
    %dma_wait3A_228 = tpu.memref_slice %arg8[%dma_wait3A_226, %dma_wait3A_227] : memref<512x128xf32, #tpu.memory_space<vmem_shared>> -> memref<512x128xf32, #tpu.memory_space<vmem_shared>>
    tpu.wait_indirect_dma semaphore(%arg9 : memref<!tpu.dma_semaphore, #tpu.memory_space<semaphore_mem>>) src(%dma_wait3A_228 : memref<512x128xf32, #tpu.memory_space<vmem_shared>>) dst(%arg7 : memref<256x128xf32, #tpu.memory_space<vmem>>)
    %add3A_229 = arith.constant 2816 : i32
    %add3A_230 = arith.addi %mul3A_2, %add3A_229 : i32
    %dma_start3A_231 = arith.constant 0 : i32
    %dma_start3A_232 = tpu.memref_slice %arg4[%add3A_230, %dma_start3A_231] : memref<131072x128xf32, #tpu.memory_space<hbm>> -> memref<256x128xf32, #tpu.memory_space<hbm>>
    %dma_start3A_233 = arith.constant 0 : i32
    %dma_start3A_234 = tpu.memref_slice %arg4[%add3A_230, %dma_start3A_233] : memref<131072x128xf32, #tpu.memory_space<hbm>> -> memref<256x128xf32, #tpu.memory_space<hbm>>
    tpu.enqueue_dma source(%arg7 : memref<256x128xf32, #tpu.memory_space<vmem>>) target(%dma_start3A_234 : memref<256x128xf32, #tpu.memory_space<hbm>>) target_semaphore(%arg10 : memref<!tpu.dma_semaphore, #tpu.memory_space<semaphore_mem>>)
    %dma_wait3A_235 = arith.constant 0 : i32
    %dma_wait3A_236 = tpu.memref_slice %arg4[%add3A_210, %dma_wait3A_235] : memref<131072x128xf32, #tpu.memory_space<hbm>> -> memref<256x128xf32, #tpu.memory_space<hbm>>
    %dma_wait3A_237 = arith.constant 0 : i32
    %dma_wait3A_238 = tpu.memref_slice %arg4[%add3A_210, %dma_wait3A_237] : memref<131072x128xf32, #tpu.memory_space<hbm>> -> memref<256x128xf32, #tpu.memory_space<hbm>>
    tpu.wait_dma2 semaphore(%arg10 : memref<!tpu.dma_semaphore, #tpu.memory_space<semaphore_mem>>) src(%arg6 : memref<256x128xf32, #tpu.memory_space<vmem>>) dst(%dma_wait3A_238 : memref<256x128xf32, #tpu.memory_space<hbm>>)
    %dma_start3A_239 = arith.constant 3072 : i32
    %dma_start3A_240 = tpu.memref_slice %arg5[%dma_start3A_239] : memref<4096xi32, #tpu.memory_space<vmem>> -> memref<256xi32, #tpu.memory_space<vmem>>
    %dma_start3A_241 = arith.constant 0 : i32
    %dma_start3A_242 = arith.constant 0 : i32
    %dma_start3A_243 = tpu.memref_slice %arg8[%dma_start3A_241, %dma_start3A_242] : memref<512x128xf32, #tpu.memory_space<vmem_shared>> -> memref<512x128xf32, #tpu.memory_space<vmem_shared>>
    tpu.enqueue_indirect_dma source(%dma_start3A_243 : memref<512x128xf32, #tpu.memory_space<vmem_shared>>) target(%arg6 : memref<256x128xf32, #tpu.memory_space<vmem>>) offsets(%dma_start3A_240 : memref<256xi32, #tpu.memory_space<vmem>>) semaphore(%arg9 : memref<!tpu.dma_semaphore, #tpu.memory_space<semaphore_mem>>)
    %dma_wait3A_244 = arith.constant 3072 : i32
    %dma_wait3A_245 = tpu.memref_slice %arg5[%dma_wait3A_244] : memref<4096xi32, #tpu.memory_space<vmem>> -> memref<256xi32, #tpu.memory_space<vmem>>
    %dma_wait3A_246 = arith.constant 0 : i32
    %dma_wait3A_247 = arith.constant 0 : i32
    %dma_wait3A_248 = tpu.memref_slice %arg8[%dma_wait3A_246, %dma_wait3A_247] : memref<512x128xf32, #tpu.memory_space<vmem_shared>> -> memref<512x128xf32, #tpu.memory_space<vmem_shared>>
    tpu.wait_indirect_dma semaphore(%arg9 : memref<!tpu.dma_semaphore, #tpu.memory_space<semaphore_mem>>) src(%dma_wait3A_248 : memref<512x128xf32, #tpu.memory_space<vmem_shared>>) dst(%arg6 : memref<256x128xf32, #tpu.memory_space<vmem>>)
    %add3A_249 = arith.constant 3072 : i32
    %add3A_250 = arith.addi %mul3A_2, %add3A_249 : i32
    %dma_start3A_251 = arith.constant 0 : i32
    %dma_start3A_252 = tpu.memref_slice %arg4[%add3A_250, %dma_start3A_251] : memref<131072x128xf32, #tpu.memory_space<hbm>> -> memref<256x128xf32, #tpu.memory_space<hbm>>
    %dma_start3A_253 = arith.constant 0 : i32
    %dma_start3A_254 = tpu.memref_slice %arg4[%add3A_250, %dma_start3A_253] : memref<131072x128xf32, #tpu.memory_space<hbm>> -> memref<256x128xf32, #tpu.memory_space<hbm>>
    tpu.enqueue_dma source(%arg6 : memref<256x128xf32, #tpu.memory_space<vmem>>) target(%dma_start3A_254 : memref<256x128xf32, #tpu.memory_space<hbm>>) target_semaphore(%arg10 : memref<!tpu.dma_semaphore, #tpu.memory_space<semaphore_mem>>)
    %dma_wait3A_255 = arith.constant 0 : i32
    %dma_wait3A_256 = tpu.memref_slice %arg4[%add3A_230, %dma_wait3A_255] : memref<131072x128xf32, #tpu.memory_space<hbm>> -> memref<256x128xf32, #tpu.memory_space<hbm>>
    %dma_wait3A_257 = arith.constant 0 : i32
    %dma_wait3A_258 = tpu.memref_slice %arg4[%add3A_230, %dma_wait3A_257] : memref<131072x128xf32, #tpu.memory_space<hbm>> -> memref<256x128xf32, #tpu.memory_space<hbm>>
    tpu.wait_dma2 semaphore(%arg10 : memref<!tpu.dma_semaphore, #tpu.memory_space<semaphore_mem>>) src(%arg7 : memref<256x128xf32, #tpu.memory_space<vmem>>) dst(%dma_wait3A_258 : memref<256x128xf32, #tpu.memory_space<hbm>>)
    %dma_start3A_259 = arith.constant 3328 : i32
    %dma_start3A_260 = tpu.memref_slice %arg5[%dma_start3A_259] : memref<4096xi32, #tpu.memory_space<vmem>> -> memref<256xi32, #tpu.memory_space<vmem>>
    %dma_start3A_261 = arith.constant 0 : i32
    %dma_start3A_262 = arith.constant 0 : i32
    %dma_start3A_263 = tpu.memref_slice %arg8[%dma_start3A_261, %dma_start3A_262] : memref<512x128xf32, #tpu.memory_space<vmem_shared>> -> memref<512x128xf32, #tpu.memory_space<vmem_shared>>
    tpu.enqueue_indirect_dma source(%dma_start3A_263 : memref<512x128xf32, #tpu.memory_space<vmem_shared>>) target(%arg7 : memref<256x128xf32, #tpu.memory_space<vmem>>) offsets(%dma_start3A_260 : memref<256xi32, #tpu.memory_space<vmem>>) semaphore(%arg9 : memref<!tpu.dma_semaphore, #tpu.memory_space<semaphore_mem>>)
    %dma_wait3A_264 = arith.constant 3328 : i32
    %dma_wait3A_265 = tpu.memref_slice %arg5[%dma_wait3A_264] : memref<4096xi32, #tpu.memory_space<vmem>> -> memref<256xi32, #tpu.memory_space<vmem>>
    %dma_wait3A_266 = arith.constant 0 : i32
    %dma_wait3A_267 = arith.constant 0 : i32
    %dma_wait3A_268 = tpu.memref_slice %arg8[%dma_wait3A_266, %dma_wait3A_267] : memref<512x128xf32, #tpu.memory_space<vmem_shared>> -> memref<512x128xf32, #tpu.memory_space<vmem_shared>>
    tpu.wait_indirect_dma semaphore(%arg9 : memref<!tpu.dma_semaphore, #tpu.memory_space<semaphore_mem>>) src(%dma_wait3A_268 : memref<512x128xf32, #tpu.memory_space<vmem_shared>>) dst(%arg7 : memref<256x128xf32, #tpu.memory_space<vmem>>)
    %add3A_269 = arith.constant 3328 : i32
    %add3A_270 = arith.addi %mul3A_2, %add3A_269 : i32
    %dma_start3A_271 = arith.constant 0 : i32
    %dma_start3A_272 = tpu.memref_slice %arg4[%add3A_270, %dma_start3A_271] : memref<131072x128xf32, #tpu.memory_space<hbm>> -> memref<256x128xf32, #tpu.memory_space<hbm>>
    %dma_start3A_273 = arith.constant 0 : i32
    %dma_start3A_274 = tpu.memref_slice %arg4[%add3A_270, %dma_start3A_273] : memref<131072x128xf32, #tpu.memory_space<hbm>> -> memref<256x128xf32, #tpu.memory_space<hbm>>
    tpu.enqueue_dma source(%arg7 : memref<256x128xf32, #tpu.memory_space<vmem>>) target(%dma_start3A_274 : memref<256x128xf32, #tpu.memory_space<hbm>>) target_semaphore(%arg10 : memref<!tpu.dma_semaphore, #tpu.memory_space<semaphore_mem>>)
    %dma_wait3A_275 = arith.constant 0 : i32
    %dma_wait3A_276 = tpu.memref_slice %arg4[%add3A_250, %dma_wait3A_275] : memref<131072x128xf32, #tpu.memory_space<hbm>> -> memref<256x128xf32, #tpu.memory_space<hbm>>
    %dma_wait3A_277 = arith.constant 0 : i32
    %dma_wait3A_278 = tpu.memref_slice %arg4[%add3A_250, %dma_wait3A_277] : memref<131072x128xf32, #tpu.memory_space<hbm>> -> memref<256x128xf32, #tpu.memory_space<hbm>>
    tpu.wait_dma2 semaphore(%arg10 : memref<!tpu.dma_semaphore, #tpu.memory_space<semaphore_mem>>) src(%arg6 : memref<256x128xf32, #tpu.memory_space<vmem>>) dst(%dma_wait3A_278 : memref<256x128xf32, #tpu.memory_space<hbm>>)
    %dma_start3A_279 = arith.constant 3584 : i32
    %dma_start3A_280 = tpu.memref_slice %arg5[%dma_start3A_279] : memref<4096xi32, #tpu.memory_space<vmem>> -> memref<256xi32, #tpu.memory_space<vmem>>
    %dma_start3A_281 = arith.constant 0 : i32
    %dma_start3A_282 = arith.constant 0 : i32
    %dma_start3A_283 = tpu.memref_slice %arg8[%dma_start3A_281, %dma_start3A_282] : memref<512x128xf32, #tpu.memory_space<vmem_shared>> -> memref<512x128xf32, #tpu.memory_space<vmem_shared>>
    tpu.enqueue_indirect_dma source(%dma_start3A_283 : memref<512x128xf32, #tpu.memory_space<vmem_shared>>) target(%arg6 : memref<256x128xf32, #tpu.memory_space<vmem>>) offsets(%dma_start3A_280 : memref<256xi32, #tpu.memory_space<vmem>>) semaphore(%arg9 : memref<!tpu.dma_semaphore, #tpu.memory_space<semaphore_mem>>)
    %dma_wait3A_284 = arith.constant 3584 : i32
    %dma_wait3A_285 = tpu.memref_slice %arg5[%dma_wait3A_284] : memref<4096xi32, #tpu.memory_space<vmem>> -> memref<256xi32, #tpu.memory_space<vmem>>
    %dma_wait3A_286 = arith.constant 0 : i32
    %dma_wait3A_287 = arith.constant 0 : i32
    %dma_wait3A_288 = tpu.memref_slice %arg8[%dma_wait3A_286, %dma_wait3A_287] : memref<512x128xf32, #tpu.memory_space<vmem_shared>> -> memref<512x128xf32, #tpu.memory_space<vmem_shared>>
    tpu.wait_indirect_dma semaphore(%arg9 : memref<!tpu.dma_semaphore, #tpu.memory_space<semaphore_mem>>) src(%dma_wait3A_288 : memref<512x128xf32, #tpu.memory_space<vmem_shared>>) dst(%arg6 : memref<256x128xf32, #tpu.memory_space<vmem>>)
    %add3A_289 = arith.constant 3584 : i32
    %add3A_290 = arith.addi %mul3A_2, %add3A_289 : i32
    %dma_start3A_291 = arith.constant 0 : i32
    %dma_start3A_292 = tpu.memref_slice %arg4[%add3A_290, %dma_start3A_291] : memref<131072x128xf32, #tpu.memory_space<hbm>> -> memref<256x128xf32, #tpu.memory_space<hbm>>
    %dma_start3A_293 = arith.constant 0 : i32
    %dma_start3A_294 = tpu.memref_slice %arg4[%add3A_290, %dma_start3A_293] : memref<131072x128xf32, #tpu.memory_space<hbm>> -> memref<256x128xf32, #tpu.memory_space<hbm>>
    tpu.enqueue_dma source(%arg6 : memref<256x128xf32, #tpu.memory_space<vmem>>) target(%dma_start3A_294 : memref<256x128xf32, #tpu.memory_space<hbm>>) target_semaphore(%arg10 : memref<!tpu.dma_semaphore, #tpu.memory_space<semaphore_mem>>)
    %dma_wait3A_295 = arith.constant 0 : i32
    %dma_wait3A_296 = tpu.memref_slice %arg4[%add3A_270, %dma_wait3A_295] : memref<131072x128xf32, #tpu.memory_space<hbm>> -> memref<256x128xf32, #tpu.memory_space<hbm>>
    %dma_wait3A_297 = arith.constant 0 : i32
    %dma_wait3A_298 = tpu.memref_slice %arg4[%add3A_270, %dma_wait3A_297] : memref<131072x128xf32, #tpu.memory_space<hbm>> -> memref<256x128xf32, #tpu.memory_space<hbm>>
    tpu.wait_dma2 semaphore(%arg10 : memref<!tpu.dma_semaphore, #tpu.memory_space<semaphore_mem>>) src(%arg7 : memref<256x128xf32, #tpu.memory_space<vmem>>) dst(%dma_wait3A_298 : memref<256x128xf32, #tpu.memory_space<hbm>>)
    %dma_start3A_299 = arith.constant 3840 : i32
    %dma_start3A_300 = tpu.memref_slice %arg5[%dma_start3A_299] : memref<4096xi32, #tpu.memory_space<vmem>> -> memref<256xi32, #tpu.memory_space<vmem>>
    %dma_start3A_301 = arith.constant 0 : i32
    %dma_start3A_302 = arith.constant 0 : i32
    %dma_start3A_303 = tpu.memref_slice %arg8[%dma_start3A_301, %dma_start3A_302] : memref<512x128xf32, #tpu.memory_space<vmem_shared>> -> memref<512x128xf32, #tpu.memory_space<vmem_shared>>
    tpu.enqueue_indirect_dma source(%dma_start3A_303 : memref<512x128xf32, #tpu.memory_space<vmem_shared>>) target(%arg7 : memref<256x128xf32, #tpu.memory_space<vmem>>) offsets(%dma_start3A_300 : memref<256xi32, #tpu.memory_space<vmem>>) semaphore(%arg9 : memref<!tpu.dma_semaphore, #tpu.memory_space<semaphore_mem>>)
    %dma_wait3A_304 = arith.constant 3840 : i32
    %dma_wait3A_305 = tpu.memref_slice %arg5[%dma_wait3A_304] : memref<4096xi32, #tpu.memory_space<vmem>> -> memref<256xi32, #tpu.memory_space<vmem>>
    %dma_wait3A_306 = arith.constant 0 : i32
    %dma_wait3A_307 = arith.constant 0 : i32
    %dma_wait3A_308 = tpu.memref_slice %arg8[%dma_wait3A_306, %dma_wait3A_307] : memref<512x128xf32, #tpu.memory_space<vmem_shared>> -> memref<512x128xf32, #tpu.memory_space<vmem_shared>>
    tpu.wait_indirect_dma semaphore(%arg9 : memref<!tpu.dma_semaphore, #tpu.memory_space<semaphore_mem>>) src(%dma_wait3A_308 : memref<512x128xf32, #tpu.memory_space<vmem_shared>>) dst(%arg7 : memref<256x128xf32, #tpu.memory_space<vmem>>)
    %add3A_309 = arith.constant 3840 : i32
    %add3A_310 = arith.addi %mul3A_2, %add3A_309 : i32
    %dma_start3A_311 = arith.constant 0 : i32
    %dma_start3A_312 = tpu.memref_slice %arg4[%add3A_310, %dma_start3A_311] : memref<131072x128xf32, #tpu.memory_space<hbm>> -> memref<256x128xf32, #tpu.memory_space<hbm>>
    %dma_start3A_313 = arith.constant 0 : i32
    %dma_start3A_314 = tpu.memref_slice %arg4[%add3A_310, %dma_start3A_313] : memref<131072x128xf32, #tpu.memory_space<hbm>> -> memref<256x128xf32, #tpu.memory_space<hbm>>
    tpu.enqueue_dma source(%arg7 : memref<256x128xf32, #tpu.memory_space<vmem>>) target(%dma_start3A_314 : memref<256x128xf32, #tpu.memory_space<hbm>>) target_semaphore(%arg10 : memref<!tpu.dma_semaphore, #tpu.memory_space<semaphore_mem>>)
    %dma_wait3A_315 = arith.constant 0 : i32
    %dma_wait3A_316 = tpu.memref_slice %arg4[%add3A_310, %dma_wait3A_315] : memref<131072x128xf32, #tpu.memory_space<hbm>> -> memref<256x128xf32, #tpu.memory_space<hbm>>
    %dma_wait3A_317 = arith.constant 0 : i32
    %dma_wait3A_318 = tpu.memref_slice %arg4[%add3A_310, %dma_wait3A_317] : memref<131072x128xf32, #tpu.memory_space<hbm>> -> memref<256x128xf32, #tpu.memory_space<hbm>>
    tpu.wait_dma2 semaphore(%arg10 : memref<!tpu.dma_semaphore, #tpu.memory_space<semaphore_mem>>) src(%arg7 : memref<256x128xf32, #tpu.memory_space<vmem>>) dst(%dma_wait3A_318 : memref<256x128xf32, #tpu.memory_space<hbm>>)
    return
  }
}

module attributes {stable_mosaic.version = 14 : i64} {
  func.func @_vq_body(%arg0: i32, %arg1: memref<4096x32xf32, #tpu.memory_space<vmem>>, %arg2: memref<512x32xf32, #tpu.memory_space<vmem>>, %arg3: memref<4096x1xf32, #tpu.memory_space<vmem>>, %arg4: memref<1x512xf32, #tpu.memory_space<vmem>>, %arg5: memref<4096xi32, #tpu.memory_space<vmem>>, %arg6: memref<1x1xf32, #tpu.memory_space<smem>>) attributes {dimension_semantics = [#tpu.dimension_semantics<arbitrary>], iteration_bounds = array<i64: 32>, scalar_prefetch = 0 : i64, scratch_operands = 0 : i64, tpu.core_type = #tpu.core_type<tc>, window_params = [{transform_indices = @transform_0, window_bounds = array<i64: 4096, 32>}, {pipeline_mode = #tpu.pipeline_mode<synchronous>, transform_indices = @transform_1, window_bounds = array<i64: 512, 32>}, {transform_indices = @transform_2, window_bounds = array<i64: 4096, 1>}, {pipeline_mode = #tpu.pipeline_mode<synchronous>, transform_indices = @transform_3, window_bounds = array<i64: 1, 512>}, {transform_indices = @transform_4, window_bounds = array<i64: 4096>}, {transform_indices = @transform_5, window_bounds = array<i64: 1, 1>}]} {
    %get3A = arith.constant 0 : index
    %get3A_0 = arith.constant 0 : index
    %get3A_1 = vector.load %arg1[%get3A, %get3A_0] : memref<4096x32xf32, #tpu.memory_space<vmem>>, vector<4096x32xf32>
    %get3A_2 = arith.constant 0 : index
    %get3A_3 = arith.constant 0 : index
    %get3A_4 = vector.load %arg2[%get3A_2, %get3A_3] : memref<512x32xf32, #tpu.memory_space<vmem>>, vector<512x32xf32>
    %get3A_5 = arith.constant 0 : index
    %get3A_6 = arith.constant 0 : index
    %get3A_7 = vector.load %arg3[%get3A_5, %get3A_6] : memref<4096x1xf32, #tpu.memory_space<vmem>>, vector<4096x1xf32>
    %get3A_8 = arith.constant 0 : index
    %get3A_9 = arith.constant 0 : index
    %get3A_10 = vector.load %arg4[%get3A_8, %get3A_9] : memref<1x512xf32, #tpu.memory_space<vmem>>, vector<1x512xf32>
    %dot_general3A = arith.constant dense<0.000000e+00> : vector<4096x512xf32>
    %dot_general3A_11 = tpu.matmul %get3A_1, %get3A_4, %dot_general3A {dimension_numbers = #tpu.dot_dimension_numbers<[1], [1], [0], [0], [0, 0, 1, 0], [], []>, transpose_lhs_hint = false} : vector<4096x32xf32>, vector<512x32xf32>, vector<4096x512xf32> -> vector<4096x512xf32>
    %slice3A = vector.extract_strided_slice %get3A_10 {offsets = [0, 0], sizes = [1, 128], strides = [1, 1]} : vector<1x512xf32> to vector<1x128xf32>
    %add3A = vector.broadcast %get3A_7 : vector<4096x1xf32> to vector<4096x128xf32>
    %add3A_12 = vector.broadcast %slice3A : vector<1x128xf32> to vector<4096x128xf32>
    %add3A_13 = arith.addf %add3A, %add3A_12 : vector<4096x128xf32>
    %slice3A_14 = vector.extract_strided_slice %dot_general3A_11 {offsets = [0, 0], sizes = [4096, 128], strides = [1, 1]} : vector<4096x512xf32> to vector<4096x128xf32>
    %sub3A = arith.subf %add3A_13, %slice3A_14 : vector<4096x128xf32>
    %broadcast_in_dim3A = arith.constant 0 : i32
    %broadcast_in_dim3A_15 = vector.broadcast %broadcast_in_dim3A : i32 to vector<4096x128xi32>
    %slice3A_16 = vector.extract_strided_slice %get3A_10 {offsets = [0, 128], sizes = [1, 128], strides = [1, 1]} : vector<1x512xf32> to vector<1x128xf32>
    %add3A_17 = vector.broadcast %get3A_7 : vector<4096x1xf32> to vector<4096x128xf32>
    %add3A_18 = vector.broadcast %slice3A_16 : vector<1x128xf32> to vector<4096x128xf32>
    %add3A_19 = arith.addf %add3A_17, %add3A_18 : vector<4096x128xf32>
    %slice3A_20 = vector.extract_strided_slice %dot_general3A_11 {offsets = [0, 128], sizes = [4096, 128], strides = [1, 1]} : vector<4096x512xf32> to vector<4096x128xf32>
    %sub3A_21 = arith.subf %add3A_19, %slice3A_20 : vector<4096x128xf32>
    %lt3A = arith.cmpf olt, %sub3A_21, %sub3A : vector<4096x128xf32>
    %jit3A = arith.constant 1 : i32
    %broadcast_in_dim3A_22 = vector.broadcast %jit3A : i32 to vector<4096x128xi32>
    %select_n3A = arith.select %lt3A, %broadcast_in_dim3A_22, %broadcast_in_dim3A_15 : vector<4096x128xi1>, vector<4096x128xi32>
    %select_n3A_23 = arith.select %lt3A, %sub3A_21, %sub3A : vector<4096x128xi1>, vector<4096x128xf32>
    %slice3A_24 = vector.extract_strided_slice %get3A_10 {offsets = [0, 256], sizes = [1, 128], strides = [1, 1]} : vector<1x512xf32> to vector<1x128xf32>
    %add3A_25 = vector.broadcast %get3A_7 : vector<4096x1xf32> to vector<4096x128xf32>
    %add3A_26 = vector.broadcast %slice3A_24 : vector<1x128xf32> to vector<4096x128xf32>
    %add3A_27 = arith.addf %add3A_25, %add3A_26 : vector<4096x128xf32>
    %slice3A_28 = vector.extract_strided_slice %dot_general3A_11 {offsets = [0, 256], sizes = [4096, 128], strides = [1, 1]} : vector<4096x512xf32> to vector<4096x128xf32>
    %sub3A_29 = arith.subf %add3A_27, %slice3A_28 : vector<4096x128xf32>
    %lt3A_30 = arith.cmpf olt, %sub3A_29, %select_n3A_23 : vector<4096x128xf32>
    %jit3A_31 = arith.constant 2 : i32
    %broadcast_in_dim3A_32 = vector.broadcast %jit3A_31 : i32 to vector<4096x128xi32>
    %select_n3A_33 = arith.select %lt3A_30, %broadcast_in_dim3A_32, %select_n3A : vector<4096x128xi1>, vector<4096x128xi32>
    %select_n3A_34 = arith.select %lt3A_30, %sub3A_29, %select_n3A_23 : vector<4096x128xi1>, vector<4096x128xf32>
    %slice3A_35 = vector.extract_strided_slice %get3A_10 {offsets = [0, 384], sizes = [1, 128], strides = [1, 1]} : vector<1x512xf32> to vector<1x128xf32>
    %add3A_36 = vector.broadcast %get3A_7 : vector<4096x1xf32> to vector<4096x128xf32>
    %add3A_37 = vector.broadcast %slice3A_35 : vector<1x128xf32> to vector<4096x128xf32>
    %add3A_38 = arith.addf %add3A_36, %add3A_37 : vector<4096x128xf32>
    %slice3A_39 = vector.extract_strided_slice %dot_general3A_11 {offsets = [0, 384], sizes = [4096, 128], strides = [1, 1]} : vector<4096x512xf32> to vector<4096x128xf32>
    %sub3A_40 = arith.subf %add3A_38, %slice3A_39 : vector<4096x128xf32>
    %lt3A_41 = arith.cmpf olt, %sub3A_40, %select_n3A_34 : vector<4096x128xf32>
    %jit3A_42 = arith.constant 3 : i32
    %broadcast_in_dim3A_43 = vector.broadcast %jit3A_42 : i32 to vector<4096x128xi32>
    %select_n3A_44 = arith.select %lt3A_41, %broadcast_in_dim3A_43, %select_n3A_33 : vector<4096x128xi1>, vector<4096x128xi32>
    %select_n3A_45 = arith.select %lt3A_41, %sub3A_40, %select_n3A_34 : vector<4096x128xi1>, vector<4096x128xf32>
    %reduce_min3A = arith.constant dense<0x7F800000> : vector<4096xf32>
    %reduce_min3A_46 = vector.multi_reduction <minimumf>, %select_n3A_45, %reduce_min3A [1] : vector<4096x128xf32> to vector<4096xf32>
    %iota3A = tpu.iota {dimensions = array<i32: 1>} : vector<4096x128xi32>
    %mul3A = arith.constant 128 : i32
    %mul3A_47 = vector.broadcast %mul3A : i32 to vector<4096x128xi32>
    %mul3A_48 = arith.muli %select_n3A_44, %mul3A_47 : vector<4096x128xi32>
    %add3A_49 = arith.addi %mul3A_48, %iota3A : vector<4096x128xi32>
    %broadcast_in_dim3A_50 = vector.shape_cast %reduce_min3A_46 : vector<4096xf32> to vector<4096x1xf32>
    %eq3A = vector.broadcast %broadcast_in_dim3A_50 : vector<4096x1xf32> to vector<4096x128xf32>
    %eq3A_51 = arith.cmpf oeq, %select_n3A_45, %eq3A : vector<4096x128xf32>
    %jit3A_52 = arith.constant 512 : i32
    %broadcast_in_dim3A_53 = vector.broadcast %jit3A_52 : i32 to vector<4096x128xi32>
    %select_n3A_54 = arith.select %eq3A_51, %add3A_49, %broadcast_in_dim3A_53 : vector<4096x128xi1>, vector<4096x128xi32>
    %reduce_min3A_55 = arith.constant dense<2147483647> : vector<4096xi32>
    %reduce_min3A_56 = vector.multi_reduction <minsi>, %select_n3A_54, %reduce_min3A_55 [1] : vector<4096x128xi32> to vector<4096xi32>
    %swap3A = arith.constant 0 : index
    %swap3A_57 = vector.load %arg5[%swap3A] : memref<4096xi32, #tpu.memory_space<vmem>>, vector<4096xi32>
    tpu.vector_store %arg5[%swap3A], %reduce_min3A_56 {strides = array<i32>} : memref<4096xi32, #tpu.memory_space<vmem>>, vector<4096xi32>,
    %eq3A_58 = arith.constant 0 : i32
    %eq3A_59 = arith.cmpi eq, %arg0, %eq3A_58 : i32
    %convert_element_type3A = arith.extui %eq3A_59 : i1 to i32
    %cond3A = arith.constant 0 : i32
    %cond3A_60 = arith.cmpi ne, %convert_element_type3A, %cond3A : i32
    scf.if %cond3A_60 {
      %swap3A_72 = arith.constant 0.000000e+00 : f32
      %swap3A_73 = arith.constant 0 : index
      %swap3A_74 = arith.constant 0 : index
      %swap3A_75 = memref.load %arg6[%swap3A_73, %swap3A_74] : memref<1x1xf32, #tpu.memory_space<smem>>
      memref.store %swap3A_72, %arg6[%swap3A_73, %swap3A_74] : memref<1x1xf32, #tpu.memory_space<smem>>
    } else {
    }
    %get3A_61 = arith.constant 0 : index
    %get3A_62 = arith.constant 0 : index
    %get3A_63 = memref.load %arg6[%get3A_61, %get3A_62] : memref<1x1xf32, #tpu.memory_space<smem>>
    %reduce_sum3A = vector.shape_cast %reduce_min3A_46 : vector<4096xf32> to vector<1x4096xf32>
    %reduce_sum3A_64 = arith.constant dense<0.000000e+00> : vector<1xf32>
    %reduce_sum3A_65 = vector.multi_reduction <add>, %reduce_sum3A, %reduce_sum3A_64 [1] : vector<1x4096xf32> to vector<1xf32>
    %reduce_sum3A_66 = vector.shape_cast %reduce_sum3A_65 : vector<1xf32> to vector<1x1xf32>
    %reduce_sum3A_67 = vector.extract %reduce_sum3A_66[0, 0] : f32 from vector<1x1xf32>
    %add3A_68 = arith.addf %get3A_63, %reduce_sum3A_67 : f32
    %swap3A_69 = arith.constant 0 : index
    %swap3A_70 = arith.constant 0 : index
    %swap3A_71 = memref.load %arg6[%swap3A_69, %swap3A_70] : memref<1x1xf32, #tpu.memory_space<smem>>
    memref.store %add3A_68, %arg6[%swap3A_69, %swap3A_70] : memref<1x1xf32, #tpu.memory_space<smem>>
    return
  }
  func.func @transform_0(%arg0: i32) -> (i32, i32) {
    %c0_i32 = arith.constant 0 : i32
    %c0_i32_0 = arith.constant 0 : i32
    return %arg0, %c0_i32 : i32, i32
  }
  func.func @transform_1(%arg0: i32) -> (i32, i32) {
    %c0_i32 = arith.constant 0 : i32
    %c0_i32_0 = arith.constant 0 : i32
    %c0_i32_1 = arith.constant 0 : i32
    return %c0_i32, %c0_i32_0 : i32, i32
  }
  func.func @transform_2(%arg0: i32) -> (i32, i32) {
    %c0_i32 = arith.constant 0 : i32
    %c0_i32_0 = arith.constant 0 : i32
    return %arg0, %c0_i32 : i32, i32
  }
  func.func @transform_3(%arg0: i32) -> (i32, i32) {
    %c0_i32 = arith.constant 0 : i32
    %c0_i32_0 = arith.constant 0 : i32
    %c0_i32_1 = arith.constant 0 : i32
    return %c0_i32, %c0_i32_0 : i32, i32
  }
  func.func @transform_4(%arg0: i32) -> i32 {
    %c0_i32 = arith.constant 0 : i32
    return %arg0 : i32
  }
  func.func @transform_5(%arg0: i32) -> (i32, i32) {
    %c0_i32 = arith.constant 0 : i32
    %c0_i32_0 = arith.constant 0 : i32
    %c0_i32_1 = arith.constant 0 : i32
    return %c0_i32, %c0_i32_0 : i32, i32
  }
}

</mosaic_0001>

<sc_bundles>
// kernel: kernel.4.cloned.1.call-start
scs
__scs_entry_jumppad:
0x0: {  	(pc) =	sbr.rel $0x88, $3  }
0x1: {  	(tag) =	ssettag $0x0;
	lr =	simm.s32 $0x1  }
0x2: {  	[smem:$0x3F9F] =	sst lr;
	_ =	strace $0xD0000000  }
0x3: {  	_ = 	snop  }
0x4: {  	_ = 	snop  }
0x5: {  	_ = 	snop  }
0x6: {  	_ = 	snop  }
0x7: {  	_ = 	snop  }
__scs_overlays_trampoline_lowered:
0x8: {  	[smem:$0x3FAE] =	sst s0  }
0x9: {  	[smem:$0x3FAF] =	sst s1  }
0xa: {  	[smem:$0x3FB0] =	sst s2  }
0xb: {  	[smem:$0x3FB1] =	sst s3  }
0xc: {  	[smem:$0x3FB2] =	sst s4  }
0xd: {  	[smem:$0x3FB3] =	sst s5  }
0xe: {  	[smem:$0x3FB4] =	sst s6  }
0xf: {  	[smem:$0x3FB5] =	sst s7  }
0x10: {  	[smem:$0x3FB6] =	sst s8  }
0x11: {  	[smem:$0x3FB7] =	sst s9;
	s0 =	simm.s32 @!p0 $0x0  }
0x12: {  	s1 =	sld [smem:$0x3F9D];
	s0 =	simm.s32 @p0 $0x1  }
0x13: {  	[smem:$0x3FB8] =	sst s0;
	s0 =	simm.s32 @!p1 $0x0  }
0x14: {  	s2 =	sld [smem:$0x3F9C];
	s0 =	simm.s32 @p1 $0x1  }
0x15: {  	[smem:$0x3FB9] =	sst s0;
	s0 =	simm.s32 @!p2 $0x0  }
0x16: {  	s3 =	sld [smem:$0x3FDB];
	s0 =	simm.s32 @p2 $0x1  }
0x17: {  	s4 =	simm.s32 $0x1BF5;
	[smem:$0x3FBB] =	sst s0  }
0x18: {  	s0 =	sld [smem:$0x3F9E];
	_ =	swait.ge [sflag:s4], $0x0  }
0x19: {  	s7 =	sld [smem:$0x3F9F]  }
0x1a: {  	s8 =	sadd.s32 $0xFFFFE003, lr  }
0x1b: {  	s9 =	sadd.s32 $0xFFFFFEF7, lr;
	s5 =	simm.s32 $0xFFFFFFFF;
	p2 =	slt.u32 s8, $0xFFFFF086  }
0x1c: {  	p1 =	slt.u32 s9, $0xF7A;
	s5 =	simm.s32 @!p2 $0x0  }
0x1d: {  	s5 =	simm.s32 @p1 $0x1;
	p0 =	seq.s32 s7, s2  }
0x1e: {  	s7 =	smul.u32 @!p0 $0xF7A, s2;
	p2 =	seq.s32 @!p0 s5, $0x0  }
0x1f: {  	s9 =	smul.u32 $0xF7A, s1;
	s8 =	simm.s32 @!p0 $0x1BF5;
	p2 =	por !p2, p0  }
0x20: {  	[sflag:s8] =	ssyncset.s32 @!p0 $0xFFFFF086;
	s6 =	sadd.s32 @!p0 s3, s7;
	s7 =	simm.s32 @!p0 $0x108  }
0x21: {  	s3 =	sadd.s32 s3, s9;
	s6 =	sadd.s32 @!p0 $0x88, s6;
	s7 =	simm.s32 @p2 $0x1082  }
0x22: {  	[simem:s7], [sflag:s8] =	dma.local @!p0 [hbm:s6], $0xF7A  }
0x23: {  	s9 =	sor.u32 $0xD0000000, s2;
	s6 =	simm.s32 $0x108;
	_ =	swait.ge @!p0 [sflag:s8], $0x0  }
0x24: {  	s3 =	sadd.s32 $0x88, s3;
	s6 =	simm.s32 @!p1 $0x1082;
	[sflag:s4] =	ssyncset.s32 $0xFFFFF086  }
0x25: {  	[simem:s6], [sflag:s4] =	dma.local [hbm:s3], $0xF7A  }
0x26: {  	[smem:$0x3F9F] =	sst s1;
	(tag) =	ssettag s2;
	_ =	strace s9  }
0x27: {  	s1 =	sld [smem:$0x3FAF]  }
0x28: {  	s2 =	sld [smem:$0x3FB0]  }
0x29: {  	s4 =	sld [smem:$0x3FB2]  }
0x2a: {  	p0 =	seq.s32 s5, $0x0;
	s5 =	sld [smem:$0x3FB3]  }
0x2b: {  	s6 =	sld [smem:$0x3FB4]  }
0x2c: {  	s7 =	sld [smem:$0x3FB5]  }
0x2d: {  	s3 =	simm.s32 $0x108;
	s8 =	sld [smem:$0x3FB6]  }
0x2e: {  	s3 =	simm.s32 @!p0 $0x1082;
	s9 =	sld [smem:$0x3FB7]  }
0x2f: {  	lr =	sadd.s32 s0, s3;
	s0 =	sld [smem:$0x3FAE]  }
0x30: {  	s3 =	sld [smem:$0x3FB1]  }
0x31: {  	[smem:$0x3FBA] =	sst s10  }
0x32: {  	s10 =	sld [smem:$0x3FB8];
	_ =	sdelay $0x3  }
0x33: {  	p0 =	seq.s32 s10, $0x1;
	s10 =	sld [smem:$0x3FBA];
	_ =	sdelay $0x3  }
0x34: {  	[smem:$0x3FBA] =	sst s10  }
0x35: {  	s10 =	sld [smem:$0x3FB9];
	_ =	sdelay $0x3  }
0x36: {  	p1 =	seq.s32 s10, $0x1;
	s10 =	sld [smem:$0x3FBA];
	_ =	sdelay $0x3  }
0x37: {  	[smem:$0x3FBA] =	sst s10  }
0x38: {  	s10 =	sld [smem:$0x3FBB]  }
0x39: {  	_ = 	snop;
	(pc) =	sbr.ind lr, $3  }
0x3a: {  	_ = 	snop  }
0x3b: {  	_ = 	snop  }
0x3c: {  	p2 =	seq.s32 s10, $0x1;
	s10 =	sld [smem:$0x3FBA]  }
0x3d: {  	_ =	shalt  }
0x3e: {  	_ =	shalt  }
0x3f: {  	_ =	shalt  }
0x40: {  	_ =	shalt  }
0x41: {  	_ =	shalt  }
0x42: {  	_ =	shalt  }
0x43: {  	_ =	shalt  }
0x44: {  	_ =	shalt  }
0x45: {  	_ =	shalt  }
0x46: {  	_ =	shalt  }
0x47: {  	_ =	shalt  }
0x48: {  	_ =	shalt  }
0x49: {  	_ =	shalt  }
0x4a: {  	_ =	shalt  }
0x4b: {  	_ =	shalt  }
0x4c: {  	_ =	shalt  }
0x4d: {  	_ =	shalt  }
0x4e: {  	_ =	shalt  }
0x4f: {  	_ =	shalt  }
0x50: {  	_ =	shalt  }
0x51: {  	_ =	shalt  }
0x52: {  	_ =	shalt  }
0x53: {  	_ =	shalt  }
0x54: {  	_ =	shalt  }
0x55: {  	_ =	shalt  }
0x56: {  	_ =	shalt  }
0x57: {  	_ =	shalt  }
0x58: {  	_ =	shalt  }
0x59: {  	_ =	shalt  }
0x5a: {  	_ =	shalt  }
0x5b: {  	_ =	shalt  }
0x5c: {  	_ =	shalt  }
0x5d: {  	_ =	shalt  }
0x5e: {  	_ =	shalt  }
0x5f: {  	_ =	shalt  }
0x60: {  	_ =	shalt  }
0x61: {  	_ =	shalt  }
0x62: {  	_ =	shalt  }
0x63: {  	_ =	shalt  }
0x64: {  	_ =	shalt  }
0x65: {  	_ =	shalt  }
0x66: {  	_ =	shalt  }
0x67: {  	_ =	shalt  }
0x68: {  	_ =	shalt  }
0x69: {  	_ =	shalt  }
0x6a: {  	_ =	shalt  }
0x6b: {  	_ =	shalt  }
0x6c: {  	_ =	shalt  }
0x6d: {  	_ =	shalt  }
0x6e: {  	_ =	shalt  }
0x6f: {  	_ =	shalt  }
0x70: {  	_ =	shalt  }
0x71: {  	_ =	shalt  }
0x72: {  	_ =	shalt  }
0x73: {  	_ =	shalt  }
0x74: {  	_ =	shalt  }
0x75: {  	_ =	shalt  }
0x76: {  	_ =	shalt  }
0x77: {  	_ =	shalt  }
0x78: {  	_ =	shalt  }
0x79: {  	_ =	shalt  }
0x7a: {  	_ =	shalt  }
0x7b: {  	_ =	shalt  }
0x7c: {  	_ =	shalt  }
0x7d: {  	_ =	shalt  }
0x7e: {  	_ =	shalt  }
0x7f: {  	_ =	shalt  }
0x80: {  	_ =	shalt  }
0x81: {  	_ =	shalt  }
0x82: {  	_ =	shalt  }
0x83: {  	_ =	shalt  }
0x84: {  	_ =	shalt  }
0x85: {  	_ =	shalt  }
0x86: {  	_ =	shalt  }
0x87: {  	_ =	shalt  }
.Lfunc_end0:
.L_simem_size_0:
called_computation_lowered:
.L_overlay_start_0:
0x88: {  	s2 =	sld [smem:$0x3FD9]  }
0x89: {  	s3 =	sld [smem:$0x3FFE];
	_ =	sdelay $0x1  }
0x8a: {  	s1 =	srdreg.scid  }
0x8b: {  	s0 =	sand.u32 $0x1, s1  }
0x8c: {  	s14 =	sshll.u32 s0, $0xA;
	s2 =	sadd.s32 s3, s2  }
0x8d: {  	s2 =	sadd.s32 s2, s14  }
0x8e: {  	[smem:$0x3FC6] =	sst s2  }
0x8f: {  	_ = 	snop  }
0x90: {  	s2 =	sld [smem:$0x3FD0];
	_ =	sdelay $0x2  }
0x91: {  	s15 =	simm.s32 $0xA;
	s4 =	simm.s32 $0x10  }
0x92: {  	[smem:s4], [sflag:s15] =	dma.local [hbm:s2], $0x1  }
0x93: {  	_ =	swait.eq [sflag:s15], $0x1  }
0x94: {  	[sflag:s15] =	ssyncset.done $0x0  }
0x95: {  	[sflag:s15] =	ssyncadd.s32 $0xFFFFFFFF  }
0x96: {  	s16 =	sld [smem:$0x10];
	(tm) =	ssettm $0x1  }
0x97: {  	s17 =	sld [smem:$0x3FFB];
	_ =	sdelay $0x3  }
0x98: {  	_ =	strace s17  }
0x99: {  	s3 =	sld [smem:$0x3FFC];
	_ =	sdelay $0x3  }
0x9a: {  	_ =	strace s3  }
0x9b: {  	s3 =	sld [smem:$0x3FFD];
	_ =	sdelay $0x3  }
0x9c: {  	_ =	strace s3  }
0x9d: {  	_ =	strace $0x8FFFFFFF  }
0x9e: {  	s18 =	sld [smem:$0x3FDB];
	_ =	sdelay $0x1  }
0x9f: {  	s19 =	simm.s32 $_scs_section_size  }
0xa0: {  	s5 =	simm.s32 $_size__tile_overlayer_lowered;
	s6 =	simm.s32 $_tile_overlayer_lowered  }
0xa1: {  	s22 =	simm.s32 $0x1BFF;
	s21 =	sshll.u32 s6, $0x1;
	s3 =	sadd.s32 s19, s18  }
0xa2: {  	s7 =	simm.s32 $0x0;
	s20 =	sshll.u32 s5, $0x1;
	s5 =	sadd.s32 s21, s3  }
0xa3: {  	[timem:s7], [sflag:s22] =	dma.local [hbm:s5], s20  }
0xa4: {  	_ =	swait.ge [sflag:s22], s20  }
0xa5: {  	s4 =	ssub.s32 $0x0, s20;
	[sflag:s22] =	ssyncset.done $0x0  }
0xa6: {  	[sflag:s22] =	ssyncadd.s32 s4;
	_ =	sdelay $0x1  }
0xa7: {  	s23 =	simm.s32 $0x1B8B  }
0xa8: {  	_ =	swait.ge [sflag:s23], $0x1  }
0xa9: {  	[sflag:s23] =	ssyncset.done $0x0  }
0xaa: {  	s25 =	simm.s32 $0x1B8E;
	s24 =	sld [smem:$0x3FFE];
	[sflag:s23] =	ssyncadd.s32 $0xFFFFFFFF  }
0xab: {  	s26 =	simm.s32 $execute0_lowered;
	[smem:$0x3FD2] =	sst s25  }
0xac: {  	s5 =	sshll.u32 s26, $0x1;
	_ =	strace $0x80000046;
	[dreg:$0x1] =	wrdreg $0xFFFFFFFF  }
0xad: {  	s28 =	simm.s32 $_size_execute0_lowered;
	s3 =	sadd.s32 s3, s5;
	[dreg:$0x0] =	wrdreg $0x0  }
0xae: {  	s5 =	sshll.u32 s28, $0x1;
	[dreg:$0x2] =	wrdreg s3  }
0xaf: {  	[dreg:$0x3] =	wrdreg s5  }
0xb0: {  	[dreg:$0x4] =	wrdreg $0xC0  }
0xb1: {  	_ =	task [dreg:s7], $0x5FFFF  }
0xb2: {  	[dreg:$0x1] =	wrdreg $0xFFFFFFFF  }
0xb3: {  	[dreg:$0x0] =	wrdreg $0x60  }
0xb4: {  	[dreg:$0x2] =	wrdreg s24  }
0xb5: {  	[dreg:$0x3] =	wrdreg s16  }
0xb6: {  	[dreg:$0x4] =	wrdreg $0x110000  }
0xb7: {  	[dreg:$0x5] =	wrdreg $0x9  }
0xb8: {  	_ =	task.clear_ibuf [dreg:s7], $0x6FFFF;
	_ =	strace $0x90000046  }
0xb9: {  	s29 =	simm.s32 $0x9;
	_ =	strace $0x80000048  }
0xba: {  	_ =	swait.ge [sflag:s29], $0x1  }
0xbb: {  	[sflag:s29] =	ssyncadd.s32 $0xFFFFFFFF  }
0xbc: {  	_ =	strace $0x90000048  }
0xbd: {  	_ =	sfence  }
0xbe: {  	s30 =	sld [smem:$0x0];
	_ =	sdelay $0x2  }
0xbf: {  	s31 =	sshll.u32 s1, $0xD;
	s1 =	sshrl.u32 s1, $0x2  }
0xc0: {  	s3 =	sand.u32 $0x4000, s31;
	s1 =	sadd.s32 s1, s30  }
0xc1: {  	s0 =	sor.u32 s3, s0;
	s1 =	sshll.u32 s1, $0x11  }
0xc2: {  	s0 =	sor.u32 s1, s0  }
0xc3: {  	s0 =	sadd.s32 $0x8F2B, s0  }
0xc4: {  	[sflag:s0] =	ssyncadd.remote.s32 $0x1  }
0xc5: {  	_ =	sfence.sel $0xFFFF  }
0xc6: {  	[dreg:$0x0] =	wrdreg $0xFFFFFFFF;
	(pc) =	sbr.abs _section_cstart, $3  }
0xc7: {  	[dreg:$0x1] =	wrdreg $0xFFFFFFFF  }
0xc8: {  	_ =	task.clear_ibuf [dreg:s7], $0x2FFFF;
	_ =	strace $0x9FFFFFFF  }
0xc9: {  	(tm) =	ssettm $0x7FFFFFFF  }
tec
execute0_lowered:
.L_overlay_start_1:
0x0: {  	(tag) =	ssettag $0x1  }
0x1: {  	s0 =	rddreg [dreg:$0x0]  }
0x2: {  	s3 =	rddreg [dreg:$0x1]  }
0x3: {  	s2 =	rddreg [dreg:$0x2]  }
0x4: {  	s30 =	rddreg [dreg:$0x3];
	s4 =	srdreg.scid;
	s1 =	simm.s32 $0x0  }
0x5: {  	s6 =	stileid.u32;
	s10 =	simm.s32 $0x1000;
	p1 =	por $0x0, $0x0  }
0x6: {  	s12 =	simm.s32 $0xE00;
	s11 =	simm.s32 $0xF00;
	s4 =	sand.u32 $0x1, s4  }
0x7: {  	[smem:$0x7FF] =	sst s1;
	s5 =	sshll.u32 s6, $0xD;
	s13 =	sadd.s32 $0x200000, s0  }
0x8: {  	p0 =	sne.s32 s6, $0x0;
	s6 =	simm.s32 $0x1;
	s7 =	sshll.u32 s4, $0xC  }
0x9: {  	_ =	strace $0x80000047;
	[dreg:$0x4] =	wrdreg s13;
	s5 =	sor.u32 s7, s5  }
0xa: {  	s24 =	ssub.s32 $0x2, s4;
	s8 =	sshrl.u32 s5, $0x3;
	s5 =	sshll.u32 s5, $0x4  }
0xb: {  	s28 =	sshrl.u32 @!p0 s2, $0x3;
	s3 =	sadd.s32 s3, s8;
	s21 =	sadd.s32 s0, s5  }
0xc: {  	s13 =	simm.s32 $0xD00;
	[dreg:$0x5] =	wrdreg s3;
	s0 =	sadd.s32 $0x1000, s21  }
0xd: {  	s4 =	sshrl.u32 s24, $0x1;
	s14 =	sadd.s32 $0x2000, s21;
	[dreg:$0x6] =	wrdreg s0  }
0xe: {  	s7 =	simm.s32 $0x9000;
	s15 =	sadd.s32 $0x3000, s21;
	[dreg:$0x7] =	wrdreg s14  }
0xf: {  	s4 =	ssub.s32 s24, s4;
	s16 =	sadd.s32 $0x4000, s21;
	[dreg:$0x8] =	wrdreg s15  }
0x10: {  	s24 =	simm.s32 $0x300;
	s17 =	sadd.s32 $0x5000, s21;
	[dreg:$0x9] =	wrdreg s16  }
0x11: {  	s29 =	smax.u32 s4, $0x1;
	s18 =	sadd.s32 $0x6000, s21;
	[dreg:$0xa] =	wrdreg s17  }
0x12: {  	s8 =	simm.s32 $0x100;
	s19 =	sadd.s32 $0x7000, s21;
	[dreg:$0xb] =	wrdreg s18  }
0x13: {  	s4 =	simm.s32 $0x2;
	s20 =	sadd.s32 $0x8000, s21;
	[dreg:$0xc] =	wrdreg s19  }
0x14: {  	s22 =	sadd.s32 $0x9000, s21;
	s23 =	sadd.s32 $0xA000, s21;
	[dreg:$0xd] =	wrdreg s20  }
0x15: {  	s25 =	sadd.s32 $0xB000, s21;
	s26 =	sadd.s32 $0xC000, s21;
	[dreg:$0xe] =	wrdreg s22  }
0x16: {  	s9 =	sadd.s32 $0xD000, s21;
	s31 =	sadd.s32 $0xFFFFFFFF, s29;
	[dreg:$0xf] =	wrdreg s23  }
0x17: {  	s5 =	sadd.s32 $0xE000, s21;
	[dreg:$0x10] =	wrdreg s25;
	p2 =	sne.s32 s31, $0x0  }
.Ltmp0:
0x18: {  	s3 =	sadd.s32 $0xF000, s21;
	[dreg:$0x11] =	wrdreg s26;
	(pc) =	sbr.rel @!p2 .LBB2_5-.Ltmp0, $4  }
0x19: {  	s26 =	simm.s32 $0x3;
	s25 =	simm.s32 $0x200;
	s23 =	simm.s32 $0x400  }
0x1a: {  	s22 =	simm.s32 $0x500;
	s20 =	simm.s32 $0x600;
	s19 =	simm.s32 $0x700  }
0x1b: {  	s18 =	simm.s32 $0x800;
	s17 =	simm.s32 $0x900;
	s16 =	simm.s32 $0xA00  }
0x1c: {  	s15 =	simm.s32 $0xB00;
	s14 =	simm.s32 $0xC00;
	s0 =	rddreg [dreg:$0x4]  }
0x1d: {  	s29 =	simm.s32 @!p0 $0x1C03;
	s30 =	simm.s32 @!p0 $0x3  }
0x1e: {  	[spmem:s28], [sflag:s29] =	dma.local @!p0 [hbm:s0], $0x2000  }
0x1f: {  	_ =	swait.ge @!p0 [sflag:s30], $0x2000  }
0x20: {  	[sflag:s30] =	ssyncset.done @!p0 $0x0  }
0x21: {  	s0 =	rddreg [dreg:$0x5];
	[sflag:s30] =	ssyncadd.s32 @!p0 $0xFFFFE000  }
0x22: {  	[tilespmem:s1], [sflag:$0x3] =	stream.linear.gather [hbm4b:s0+s1], $0x1000, $0x38;
	[tilespmem:$0x12000] =	vst v63  }
0x23: {  	_ =	swait.ge [sflag:s26], $0x1000  }
0x24: {  	[sflag:s26] =	ssyncset.done $0x0  }
0x25: {  	[sflag:s26] =	ssyncadd.s32 $0xFFFFF000  }
0x26: {  	[bflag:$0x0] =	sbarrier.arrive $0xFFFF  }
0x27: {  	[tilespmem:s10], [sflag:$0x1] =	stream.indirect.gather [spmem:s2], $0x80, s1, s8, $0xb8;
	[tilespmem:$0x12000] =	vst v63  }
0x28: {  	_ =	swait.ge [sflag:s6], $0x8000  }
0x29: {  	[sflag:s6] =	ssyncset.done $0x0  }
0x2a: {  	[sflag:s6] =	ssyncadd.s32 $0xFFFF8000  }
0x2b: {  	[hbm4b:s21+s1] =	stream.linear.scatter [tilespmem:s10], [sflag:$0x2], $0x8000, $0x38;
	[tilespmem:$0x12000] =	vst v63  }
0x2c: {  	_ = 	snop  }
0x2d: {  	[tilespmem:s7], [sflag:$0x1] =	stream.indirect.gather [spmem:s2], $0x80, s8, s8, $0xb8;
	[tilespmem:$0x12000] =	vst v63  }
0x2e: {  	_ =	swait.ge [sflag:s6], $0x8000  }
0x2f: {  	[sflag:s6] =	ssyncset.done $0x0  }
0x30: {  	s0 =	rddreg [dreg:$0x6];
	[sflag:s6] =	ssyncadd.s32 $0xFFFF8000  }
0x31: {  	[hbm4b:s0+s1] =	stream.linear.scatter [tilespmem:s7], [sflag:$0x2], $0x8000, $0x38;
	[tilespmem:$0x12000] =	vst v63  }
0x32: {  	_ =	swait.ge [sflag:s4], $0x8000  }
0x33: {  	[sflag:s4] =	ssyncset.done $0x0  }
0x34: {  	[sflag:s4] =	ssyncadd.s32 $0xFFFF8000  }
0x35: {  	[tilespmem:s10], [sflag:$0x1] =	stream.indirect.gather [spmem:s2], $0x80, s25, s8, $0xb8;
	[tilespmem:$0x12000] =	vst v63  }
0x36: {  	_ =	swait.ge [sflag:s6], $0x8000  }
0x37: {  	[sflag:s6] =	ssyncset.done $0x0  }
0x38: {  	s0 =	rddreg [dreg:$0x7];
	[sflag:s6] =	ssyncadd.s32 $0xFFFF8000  }
0x39: {  	[hbm4b:s0+s1] =	stream.linear.scatter [tilespmem:s10], [sflag:$0x2], $0x8000, $0x38;
	[tilespmem:$0x12000] =	vst v63  }
0x3a: {  	_ =	swait.ge [sflag:s4], $0x8000  }
0x3b: {  	[sflag:s4] =	ssyncset.done $0x0  }
0x3c: {  	[sflag:s4] =	ssyncadd.s32 $0xFFFF8000  }
0x3d: {  	[tilespmem:s7], [sflag:$0x1] =	stream.indirect.gather [spmem:s2], $0x80, s24, s8, $0xb8;
	[tilespmem:$0x12000] =	vst v63  }
0x3e: {  	_ =	swait.ge [sflag:s6], $0x8000  }
0x3f: {  	[sflag:s6] =	ssyncset.done $0x0  }
0x40: {  	s0 =	rddreg [dreg:$0x8];
	[sflag:s6] =	ssyncadd.s32 $0xFFFF8000  }
0x41: {  	[hbm4b:s0+s1] =	stream.linear.scatter [tilespmem:s7], [sflag:$0x2], $0x8000, $0x38;
	[tilespmem:$0x12000] =	vst v63  }
0x42: {  	_ =	swait.ge [sflag:s4], $0x8000  }
0x43: {  	[sflag:s4] =	ssyncset.done $0x0  }
0x44: {  	[sflag:s4] =	ssyncadd.s32 $0xFFFF8000  }
0x45: {  	[tilespmem:s10], [sflag:$0x1] =	stream.indirect.gather [spmem:s2], $0x80, s23, s8, $0xb8;
	[tilespmem:$0x12000] =	vst v63  }
0x46: {  	_ =	swait.ge [sflag:s6], $0x8000  }
0x47: {  	[sflag:s6] =	ssyncset.done $0x0  }
0x48: {  	s0 =	rddreg [dreg:$0x9];
	[sflag:s6] =	ssyncadd.s32 $0xFFFF8000  }
0x49: {  	[hbm4b:s0+s1] =	stream.linear.scatter [tilespmem:s10], [sflag:$0x2], $0x8000, $0x38;
	[tilespmem:$0x12000] =	vst v63  }
0x4a: {  	_ =	swait.ge [sflag:s4], $0x8000  }
0x4b: {  	[sflag:s4] =	ssyncset.done $0x0  }
0x4c: {  	[sflag:s4] =	ssyncadd.s32 $0xFFFF8000  }
0x4d: {  	[tilespmem:s7], [sflag:$0x1] =	stream.indirect.gather [spmem:s2], $0x80, s22, s8, $0xb8;
	[tilespmem:$0x12000] =	vst v63  }
0x4e: {  	_ =	swait.ge [sflag:s6], $0x8000  }
0x4f: {  	[sflag:s6] =	ssyncset.done $0x0  }
0x50: {  	s0 =	rddreg [dreg:$0xa];
	[sflag:s6] =	ssyncadd.s32 $0xFFFF8000  }
0x51: {  	[hbm4b:s0+s1] =	stream.linear.scatter [tilespmem:s7], [sflag:$0x2], $0x8000, $0x38;
	[tilespmem:$0x12000] =	vst v63  }
0x52: {  	_ =	swait.ge [sflag:s4], $0x8000  }
0x53: {  	[sflag:s4] =	ssyncset.done $0x0  }
0x54: {  	[sflag:s4] =	ssyncadd.s32 $0xFFFF8000  }
0x55: {  	[tilespmem:s10], [sflag:$0x1] =	stream.indirect.gather [spmem:s2], $0x80, s20, s8, $0xb8;
	[tilespmem:$0x12000] =	vst v63  }
0x56: {  	_ =	swait.ge [sflag:s6], $0x8000  }
0x57: {  	[sflag:s6] =	ssyncset.done $0x0  }
0x58: {  	s0 =	rddreg [dreg:$0xb];
	[sflag:s6] =	ssyncadd.s32 $0xFFFF8000  }
0x59: {  	[hbm4b:s0+s1] =	stream.linear.scatter [tilespmem:s10], [sflag:$0x2], $0x8000, $0x38;
	[tilespmem:$0x12000] =	vst v63  }
0x5a: {  	_ =	swait.ge [sflag:s4], $0x8000  }
0x5b: {  	[sflag:s4] =	ssyncset.done $0x0  }
0x5c: {  	[sflag:s4] =	ssyncadd.s32 $0xFFFF8000  }
0x5d: {  	[tilespmem:s7], [sflag:$0x1] =	stream.indirect.gather [spmem:s2], $0x80, s19, s8, $0xb8;
	[tilespmem:$0x12000] =	vst v63  }
0x5e: {  	_ =	swait.ge [sflag:s6], $0x8000  }
0x5f: {  	[sflag:s6] =	ssyncset.done $0x0  }
0x60: {  	s0 =	rddreg [dreg:$0xc];
	[sflag:s6] =	ssyncadd.s32 $0xFFFF8000  }
0x61: {  	[hbm4b:s0+s1] =	stream.linear.scatter [tilespmem:s7], [sflag:$0x2], $0x8000, $0x38;
	[tilespmem:$0x12000] =	vst v63  }
0x62: {  	_ =	swait.ge [sflag:s4], $0x8000  }
0x63: {  	[sflag:s4] =	ssyncset.done $0x0  }
0x64: {  	[sflag:s4] =	ssyncadd.s32 $0xFFFF8000  }
0x65: {  	[tilespmem:s10], [sflag:$0x1] =	stream.indirect.gather [spmem:s2], $0x80, s18, s8, $0xb8;
	[tilespmem:$0x12000] =	vst v63  }
0x66: {  	_ =	swait.ge [sflag:s6], $0x8000  }
0x67: {  	[sflag:s6] =	ssyncset.done $0x0  }
0x68: {  	s0 =	rddreg [dreg:$0xd];
	[sflag:s6] =	ssyncadd.s32 $0xFFFF8000  }
0x69: {  	[hbm4b:s0+s1] =	stream.linear.scatter [tilespmem:s10], [sflag:$0x2], $0x8000, $0x38;
	[tilespmem:$0x12000] =	vst v63  }
0x6a: {  	_ =	swait.ge [sflag:s4], $0x8000  }
0x6b: {  	[sflag:s4] =	ssyncset.done $0x0  }
0x6c: {  	[sflag:s4] =	ssyncadd.s32 $0xFFFF8000  }
0x6d: {  	[tilespmem:s7], [sflag:$0x1] =	stream.indirect.gather [spmem:s2], $0x80, s17, s8, $0xb8;
	[tilespmem:$0x12000] =	vst v63  }
0x6e: {  	_ =	swait.ge [sflag:s6], $0x8000  }
0x6f: {  	[sflag:s6] =	ssyncset.done $0x0  }
0x70: {  	s0 =	rddreg [dreg:$0xe];
	[sflag:s6] =	ssyncadd.s32 $0xFFFF8000  }
0x71: {  	[hbm4b:s0+s1] =	stream.linear.scatter [tilespmem:s7], [sflag:$0x2], $0x8000, $0x38;
	[tilespmem:$0x12000] =	vst v63  }
0x72: {  	_ =	swait.ge [sflag:s4], $0x8000  }
0x73: {  	[sflag:s4] =	ssyncset.done $0x0  }
0x74: {  	[sflag:s4] =	ssyncadd.s32 $0xFFFF8000  }
0x75: {  	[tilespmem:s10], [sflag:$0x1] =	stream.indirect.gather [spmem:s2], $0x80, s16, s8, $0xb8;
	[tilespmem:$0x12000] =	vst v63  }
0x76: {  	_ =	swait.ge [sflag:s6], $0x8000  }
0x77: {  	[sflag:s6] =	ssyncset.done $0x0  }
0x78: {  	s0 =	rddreg [dreg:$0xf];
	[sflag:s6] =	ssyncadd.s32 $0xFFFF8000  }
0x79: {  	[hbm4b:s0+s1] =	stream.linear.scatter [tilespmem:s10], [sflag:$0x2], $0x8000, $0x38;
	[tilespmem:$0x12000] =	vst v63  }
0x7a: {  	_ =	swait.ge [sflag:s4], $0x8000  }
0x7b: {  	[sflag:s4] =	ssyncset.done $0x0  }
0x7c: {  	[sflag:s4] =	ssyncadd.s32 $0xFFFF8000  }
0x7d: {  	[tilespmem:s7], [sflag:$0x1] =	stream.indirect.gather [spmem:s2], $0x80, s15, s8, $0xb8;
	[tilespmem:$0x12000] =	vst v63  }
0x7e: {  	_ =	swait.ge [sflag:s6], $0x8000  }
0x7f: {  	[sflag:s6] =	ssyncset.done $0x0  }
0x80: {  	s0 =	rddreg [dreg:$0x10];
	[sflag:s6] =	ssyncadd.s32 $0xFFFF8000  }
0x81: {  	[hbm4b:s0+s1] =	stream.linear.scatter [tilespmem:s7], [sflag:$0x2], $0x8000, $0x38;
	[tilespmem:$0x12000] =	vst v63  }
0x82: {  	_ =	swait.ge [sflag:s4], $0x8000  }
0x83: {  	[sflag:s4] =	ssyncset.done $0x0  }
0x84: {  	[sflag:s4] =	ssyncadd.s32 $0xFFFF8000  }
0x85: {  	[tilespmem:s10], [sflag:$0x1] =	stream.indirect.gather [spmem:s2], $0x80, s14, s8, $0xb8;
	[tilespmem:$0x12000] =	vst v63  }
0x86: {  	_ =	swait.ge [sflag:s6], $0x8000  }
0x87: {  	[sflag:s6] =	ssyncset.done $0x0  }
0x88: {  	s0 =	rddreg [dreg:$0x11];
	[sflag:s6] =	ssyncadd.s32 $0xFFFF8000  }
0x89: {  	[hbm4b:s0+s1] =	stream.linear.scatter [tilespmem:s10], [sflag:$0x2], $0x8000, $0x38;
	[tilespmem:$0x12000] =	vst v63  }
0x8a: {  	_ =	swait.ge [sflag:s4], $0x8000  }
0x8b: {  	[sflag:s4] =	ssyncset.done $0x0  }
0x8c: {  	[sflag:s4] =	ssyncadd.s32 $0xFFFF8000  }
0x8d: {  	[tilespmem:s7], [sflag:$0x1] =	stream.indirect.gather [spmem:s2], $0x80, s13, s8, $0xb8;
	[tilespmem:$0x12000] =	vst v63  }
0x8e: {  	_ =	swait.ge [sflag:s6], $0x8000  }
0x8f: {  	[sflag:s6] =	ssyncset.done $0x0  }
0x90: {  	[sflag:s6] =	ssyncadd.s32 $0xFFFF8000  }
0x91: {  	[hbm4b:s9+s1] =	stream.linear.scatter [tilespmem:s7], [sflag:$0x2], $0x8000, $0x38;
	[tilespmem:$0x12000] =	vst v63  }
0x92: {  	_ =	swait.ge [sflag:s4], $0x8000  }
0x93: {  	[sflag:s4] =	ssyncset.done $0x0  }
0x94: {  	[sflag:s4] =	ssyncadd.s32 $0xFFFF8000  }
0x95: {  	[tilespmem:s10], [sflag:$0x1] =	stream.indirect.gather [spmem:s2], $0x80, s12, s8, $0xb8;
	[tilespmem:$0x12000] =	vst v63  }
0x96: {  	_ =	swait.ge [sflag:s6], $0x8000  }
0x97: {  	[sflag:s6] =	ssyncset.done $0x0  }
0x98: {  	[sflag:s6] =	ssyncadd.s32 $0xFFFF8000  }
0x99: {  	[hbm4b:s5+s1] =	stream.linear.scatter [tilespmem:s10], [sflag:$0x2], $0x8000, $0x38;
	[tilespmem:$0x12000] =	vst v63  }
0x9a: {  	_ =	swait.ge [sflag:s4], $0x8000  }
0x9b: {  	[sflag:s4] =	ssyncset.done $0x0  }
0x9c: {  	s31 =	sadd.s32 $0xFFFFFFFF, s31;
	[sflag:s4] =	ssyncadd.s32 $0xFFFF8000  }
0x9d: {  	[tilespmem:s7], [sflag:$0x1] =	stream.indirect.gather [spmem:s2], $0x80, s11, s8, $0xb8;
	[tilespmem:$0x12000] =	vst v63  }
0x9e: {  	p2 =	sne.s32 s31, $0x0;
	_ =	swait.ge [sflag:s6], $0x8000  }
.Ltmp1:
0x9f: {  	[sflag:s6] =	ssyncset.done $0x0;
	(pc) =	sbr.rel @!p2 .LBB2_2-.Ltmp1, $4  }
0xa0: {  	[sflag:s6] =	ssyncadd.s32 $0xFFFF8000  }
0xa1: {  	[hbm4b:s3+s1] =	stream.linear.scatter [tilespmem:s7], [sflag:$0x2], $0x8000, $0x38;
	[tilespmem:$0x12000] =	vst v63  }
0xa2: {  	_ =	swait.ge [sflag:s4], $0x8000  }
0xa3: {  	p1 =	por $0x1, $0x1;
	s0 =	rddreg [dreg:$0x4];
	[sflag:s4] =	ssyncset.done $0x0  }
.LBB2_3:
0xa4: {  	[sflag:s4] =	ssyncadd.s32 $0xFFFF8000  }
0xa5: {  	[spmem:s28], [sflag:s29] =	dma.local @!p0 [hbm:s0], $0x2000  }
0xa6: {  	_ =	swait.ge @!p0 [sflag:s30], $0x2000  }
0xa7: {  	[sflag:s30] =	ssyncset.done @!p0 $0x0  }
0xa8: {  	s0 =	rddreg [dreg:$0x5];
	[sflag:s30] =	ssyncadd.s32 @!p0 $0xFFFFE000  }
0xa9: {  	[tilespmem:s1], [sflag:$0x3] =	stream.linear.gather [hbm4b:s0+s1], $0x1000, $0x38;
	[tilespmem:$0x12000] =	vst v63  }
0xaa: {  	_ =	swait.ge [sflag:s26], $0x1000  }
0xab: {  	[sflag:s26] =	ssyncset.done $0x0  }
0xac: {  	[sflag:s26] =	ssyncadd.s32 $0xFFFFF000  }
0xad: {  	[bflag:$0x0] =	sbarrier.arrive $0xFFFF  }
0xae: {  	[tilespmem:s10], [sflag:$0x1] =	stream.indirect.gather [spmem:s2], $0x80, s1, s8, $0xb8;
	[tilespmem:$0x12000] =	vst v63  }
0xaf: {  	_ =	swait.ge [sflag:s6], $0x8000  }
0xb0: {  	[sflag:s6] =	ssyncset.done $0x0  }
0xb1: {  	[sflag:s6] =	ssyncadd.s32 $0xFFFF8000  }
0xb2: {  	[hbm4b:s21+s1] =	stream.linear.scatter [tilespmem:s10], [sflag:$0x2], $0x8000, $0x38;
	[tilespmem:$0x12000] =	vst v63  }
0xb3: {  	_ = 	snop  }
0xb4: {  	[tilespmem:s7], [sflag:$0x1] =	stream.indirect.gather [spmem:s2], $0x80, s8, s8, $0xb8;
	[tilespmem:$0x12000] =	vst v63  }
0xb5: {  	_ =	swait.ge [sflag:s6], $0x8000  }
0xb6: {  	[sflag:s6] =	ssyncset.done $0x0  }
0xb7: {  	s0 =	rddreg [dreg:$0x6];
	[sflag:s6] =	ssyncadd.s32 $0xFFFF8000  }
0xb8: {  	[hbm4b:s0+s1] =	stream.linear.scatter [tilespmem:s7], [sflag:$0x2], $0x8000, $0x38;
	[tilespmem:$0x12000] =	vst v63  }
0xb9: {  	_ =	swait.ge [sflag:s4], $0x8000  }
0xba: {  	[sflag:s4] =	ssyncset.done $0x0  }
0xbb: {  	[sflag:s4] =	ssyncadd.s32 $0xFFFF8000  }
0xbc: {  	[tilespmem:s10], [sflag:$0x1] =	stream.indirect.gather [spmem:s2], $0x80, s25, s8, $0xb8;
	[tilespmem:$0x12000] =	vst v63  }
0xbd: {  	_ =	swait.ge [sflag:s6], $0x8000  }
0xbe: {  	[sflag:s6] =	ssyncset.done $0x0  }
0xbf: {  	s0 =	rddreg [dreg:$0x7];
	[sflag:s6] =	ssyncadd.s32 $0xFFFF8000  }
0xc0: {  	[hbm4b:s0+s1] =	stream.linear.scatter [tilespmem:s10], [sflag:$0x2], $0x8000, $0x38;
	[tilespmem:$0x12000] =	vst v63  }
0xc1: {  	_ =	swait.ge [sflag:s4], $0x8000  }
0xc2: {  	[sflag:s4] =	ssyncset.done $0x0  }
0xc3: {  	[sflag:s4] =	ssyncadd.s32 $0xFFFF8000  }
0xc4: {  	[tilespmem:s7], [sflag:$0x1] =	stream.indirect.gather [spmem:s2], $0x80, s24, s8, $0xb8;
	[tilespmem:$0x12000] =	vst v63  }
0xc5: {  	_ =	swait.ge [sflag:s6], $0x8000  }
0xc6: {  	[sflag:s6] =	ssyncset.done $0x0  }
0xc7: {  	s0 =	rddreg [dreg:$0x8];
	[sflag:s6] =	ssyncadd.s32 $0xFFFF8000  }
0xc8: {  	[hbm4b:s0+s1] =	stream.linear.scatter [tilespmem:s7], [sflag:$0x2], $0x8000, $0x38;
	[tilespmem:$0x12000] =	vst v63  }
0xc9: {  	_ =	swait.ge [sflag:s4], $0x8000  }
0xca: {  	[sflag:s4] =	ssyncset.done $0x0  }
0xcb: {  	[sflag:s4] =	ssyncadd.s32 $0xFFFF8000  }
0xcc: {  	[tilespmem:s10], [sflag:$0x1] =	stream.indirect.gather [spmem:s2], $0x80, s23, s8, $0xb8;
	[tilespmem:$0x12000] =	vst v63  }
0xcd: {  	_ =	swait.ge [sflag:s6], $0x8000  }
0xce: {  	[sflag:s6] =	ssyncset.done $0x0  }
0xcf: {  	s0 =	rddreg [dreg:$0x9];
	[sflag:s6] =	ssyncadd.s32 $0xFFFF8000  }
0xd0: {  	[hbm4b:s0+s1] =	stream.linear.scatter [tilespmem:s10], [sflag:$0x2], $0x8000, $0x38;
	[tilespmem:$0x12000] =	vst v63  }
0xd1: {  	_ =	swait.ge [sflag:s4], $0x8000  }
0xd2: {  	[sflag:s4] =	ssyncset.done $0x0  }
0xd3: {  	[sflag:s4] =	ssyncadd.s32 $0xFFFF8000  }
0xd4: {  	[tilespmem:s7], [sflag:$0x1] =	stream.indirect.gather [spmem:s2], $0x80, s22, s8, $0xb8;
	[tilespmem:$0x12000] =	vst v63  }
0xd5: {  	_ =	swait.ge [sflag:s6], $0x8000  }
0xd6: {  	[sflag:s6] =	ssyncset.done $0x0  }
0xd7: {  	s0 =	rddreg [dreg:$0xa];
	[sflag:s6] =	ssyncadd.s32 $0xFFFF8000  }
0xd8: {  	[hbm4b:s0+s1] =	stream.linear.scatter [tilespmem:s7], [sflag:$0x2], $0x8000, $0x38;
	[tilespmem:$0x12000] =	vst v63  }
0xd9: {  	_ =	swait.ge [sflag:s4], $0x8000  }
0xda: {  	[sflag:s4] =	ssyncset.done $0x0  }
0xdb: {  	[sflag:s4] =	ssyncadd.s32 $0xFFFF8000  }
0xdc: {  	[tilespmem:s10], [sflag:$0x1] =	stream.indirect.gather [spmem:s2], $0x80, s20, s8, $0xb8;
	[tilespmem:$0x12000] =	vst v63  }
0xdd: {  	_ =	swait.ge [sflag:s6], $0x8000  }
0xde: {  	[sflag:s6] =	ssyncset.done $0x0  }
0xdf: {  	s0 =	rddreg [dreg:$0xb];
	[sflag:s6] =	ssyncadd.s32 $0xFFFF8000  }
0xe0: {  	[hbm4b:s0+s1] =	stream.linear.scatter [tilespmem:s10], [sflag:$0x2], $0x8000, $0x38;
	[tilespmem:$0x12000] =	vst v63  }
0xe1: {  	_ =	swait.ge [sflag:s4], $0x8000  }
0xe2: {  	[sflag:s4] =	ssyncset.done $0x0  }
0xe3: {  	[sflag:s4] =	ssyncadd.s32 $0xFFFF8000  }
0xe4: {  	[tilespmem:s7], [sflag:$0x1] =	stream.indirect.gather [spmem:s2], $0x80, s19, s8, $0xb8;
	[tilespmem:$0x12000] =	vst v63  }
0xe5: {  	_ =	swait.ge [sflag:s6], $0x8000  }
0xe6: {  	[sflag:s6] =	ssyncset.done $0x0  }
0xe7: {  	s0 =	rddreg [dreg:$0xc];
	[sflag:s6] =	ssyncadd.s32 $0xFFFF8000  }
0xe8: {  	[hbm4b:s0+s1] =	stream.linear.scatter [tilespmem:s7], [sflag:$0x2], $0x8000, $0x38;
	[tilespmem:$0x12000] =	vst v63  }
0xe9: {  	_ =	swait.ge [sflag:s4], $0x8000  }
0xea: {  	[sflag:s4] =	ssyncset.done $0x0  }
0xeb: {  	[sflag:s4] =	ssyncadd.s32 $0xFFFF8000  }
0xec: {  	[tilespmem:s10], [sflag:$0x1] =	stream.indirect.gather [spmem:s2], $0x80, s18, s8, $0xb8;
	[tilespmem:$0x12000] =	vst v63  }
0xed: {  	_ =	swait.ge [sflag:s6], $0x8000  }
0xee: {  	[sflag:s6] =	ssyncset.done $0x0  }
0xef: {  	s0 =	rddreg [dreg:$0xd];
	[sflag:s6] =	ssyncadd.s32 $0xFFFF8000  }
0xf0: {  	[hbm4b:s0+s1] =	stream.linear.scatter [tilespmem:s10], [sflag:$0x2], $0x8000, $0x38;
	[tilespmem:$0x12000] =	vst v63  }
0xf1: {  	_ =	swait.ge [sflag:s4], $0x8000  }
0xf2: {  	[sflag:s4] =	ssyncset.done $0x0  }
0xf3: {  	[sflag:s4] =	ssyncadd.s32 $0xFFFF8000  }
0xf4: {  	[tilespmem:s7], [sflag:$0x1] =	stream.indirect.gather [spmem:s2], $0x80, s17, s8, $0xb8;
	[tilespmem:$0x12000] =	vst v63  }
0xf5: {  	_ =	swait.ge [sflag:s6], $0x8000  }
0xf6: {  	[sflag:s6] =	ssyncset.done $0x0  }
0xf7: {  	s0 =	rddreg [dreg:$0xe];
	[sflag:s6] =	ssyncadd.s32 $0xFFFF8000  }
0xf8: {  	[hbm4b:s0+s1] =	stream.linear.scatter [tilespmem:s7], [sflag:$0x2], $0x8000, $0x38;
	[tilespmem:$0x12000] =	vst v63  }
0xf9: {  	_ =	swait.ge [sflag:s4], $0x8000  }
0xfa: {  	[sflag:s4] =	ssyncset.done $0x0  }
0xfb: {  	[sflag:s4] =	ssyncadd.s32 $0xFFFF8000  }
0xfc: {  	[tilespmem:s10], [sflag:$0x1] =	stream.indirect.gather [spmem:s2], $0x80, s16, s8, $0xb8;
	[tilespmem:$0x12000] =	vst v63  }
0xfd: {  	_ =	swait.ge [sflag:s6], $0x8000  }
0xfe: {  	[sflag:s6] =	ssyncset.done $0x0  }
0xff: {  	s0 =	rddreg [dreg:$0xf];
	[sflag:s6] =	ssyncadd.s32 $0xFFFF8000  }
0x100: {  	[hbm4b:s0+s1] =	stream.linear.scatter [tilespmem:s10], [sflag:$0x2], $0x8000, $0x38;
	[tilespmem:$0x12000] =	vst v63  }
0x101: {  	_ =	swait.ge [sflag:s4], $0x8000  }
0x102: {  	[sflag:s4] =	ssyncset.done $0x0  }
0x103: {  	[sflag:s4] =	ssyncadd.s32 $0xFFFF8000  }
0x104: {  	[tilespmem:s7], [sflag:$0x1] =	stream.indirect.gather [spmem:s2], $0x80, s15, s8, $0xb8;
	[tilespmem:$0x12000] =	vst v63  }
0x105: {  	_ =	swait.ge [sflag:s6], $0x8000  }
0x106: {  	[sflag:s6] =	ssyncset.done $0x0  }
0x107: {  	s0 =	rddreg [dreg:$0x10];
	[sflag:s6] =	ssyncadd.s32 $0xFFFF8000  }
0x108: {  	[hbm4b:s0+s1] =	stream.linear.scatter [tilespmem:s7], [sflag:$0x2], $0x8000, $0x38;
	[tilespmem:$0x12000] =	vst v63  }
0x109: {  	_ =	swait.ge [sflag:s4], $0x8000  }
0x10a: {  	[sflag:s4] =	ssyncset.done $0x0  }
0x10b: {  	[sflag:s4] =	ssyncadd.s32 $0xFFFF8000  }
0x10c: {  	[tilespmem:s10], [sflag:$0x1] =	stream.indirect.gather [spmem:s2], $0x80, s14, s8, $0xb8;
	[tilespmem:$0x12000] =	vst v63  }
0x10d: {  	_ =	swait.ge [sflag:s6], $0x8000  }
0x10e: {  	[sflag:s6] =	ssyncset.done $0x0  }
0x10f: {  	s0 =	rddreg [dreg:$0x11];
	[sflag:s6] =	ssyncadd.s32 $0xFFFF8000  }
0x110: {  	[hbm4b:s0+s1] =	stream.linear.scatter [tilespmem:s10], [sflag:$0x2], $0x8000, $0x38;
	[tilespmem:$0x12000] =	vst v63  }
0x111: {  	_ =	swait.ge [sflag:s4], $0x8000  }
0x112: {  	[sflag:s4] =	ssyncset.done $0x0  }
0x113: {  	[sflag:s4] =	ssyncadd.s32 $0xFFFF8000  }
0x114: {  	[tilespmem:s7], [sflag:$0x1] =	stream.indirect.gather [spmem:s2], $0x80, s13, s8, $0xb8;
	[tilespmem:$0x12000] =	vst v63  }
0x115: {  	_ =	swait.ge [sflag:s6], $0x8000  }
0x116: {  	[sflag:s6] =	ssyncset.done $0x0  }
0x117: {  	[sflag:s6] =	ssyncadd.s32 $0xFFFF8000  }
0x118: {  	[hbm4b:s9+s1] =	stream.linear.scatter [tilespmem:s7], [sflag:$0x2], $0x8000, $0x38;
	[tilespmem:$0x12000] =	vst v63  }
0x119: {  	_ =	swait.ge [sflag:s4], $0x8000  }
0x11a: {  	[sflag:s4] =	ssyncset.done $0x0  }
0x11b: {  	[sflag:s4] =	ssyncadd.s32 $0xFFFF8000  }
0x11c: {  	[tilespmem:s10], [sflag:$0x1] =	stream.indirect.gather [spmem:s2], $0x80, s12, s8, $0xb8;
	[tilespmem:$0x12000] =	vst v63  }
0x11d: {  	_ =	swait.ge [sflag:s6], $0x8000  }
0x11e: {  	[sflag:s6] =	ssyncset.done $0x0  }
0x11f: {  	[sflag:s6] =	ssyncadd.s32 $0xFFFF8000  }
0x120: {  	[hbm4b:s5+s1] =	stream.linear.scatter [tilespmem:s10], [sflag:$0x2], $0x8000, $0x38;
	[tilespmem:$0x12000] =	vst v63  }
0x121: {  	_ =	swait.ge [sflag:s4], $0x8000  }
0x122: {  	[sflag:s4] =	ssyncset.done $0x0  }
0x123: {  	s31 =	sadd.s32 $0xFFFFFFFF, s31;
	[sflag:s4] =	ssyncadd.s32 $0xFFFF8000  }
0x124: {  	[tilespmem:s7], [sflag:$0x1] =	stream.indirect.gather [spmem:s2], $0x80, s11, s8, $0xb8;
	[tilespmem:$0x12000] =	vst v63  }
0x125: {  	p2 =	sne.s32 s31, $0x0;
	_ =	swait.ge [sflag:s6], $0x8000  }
.Ltmp2:
0x126: {  	[sflag:s6] =	ssyncset.done $0x0;
	(pc) =	sbr.rel @p2 .LBB2_3-.Ltmp2, $4  }
0x127: {  	[sflag:s6] =	ssyncadd.s32 $0xFFFF8000  }
0x128: {  	[hbm4b:s3+s1] =	stream.linear.scatter [tilespmem:s7], [sflag:$0x2], $0x8000, $0x38;
	[tilespmem:$0x12000] =	vst v63  }
0x129: {  	_ =	swait.ge [sflag:s4], $0x8000  }
0x12a: {  	s0 =	rddreg [dreg:$0x4];
	[sflag:s4] =	ssyncset.done $0x0  }
0x12b: {  	s30 =	rddreg [dreg:$0x3]  }
.LBB2_5:
0x12c: {  	[sflag:s4] =	ssyncadd.s32 @p1 $0xFFFF8000;
	s29 =	simm.s32 @!p0 $0x1C03  }
0x12d: {  	[spmem:s28], [sflag:s29] =	dma.local @!p0 [hbm:s0], $0x2000  }
0x12e: {  	s0 =	simm.s32 @!p0 $0x3  }
0x12f: {  	_ =	swait.ge @!p0 [sflag:s0], $0x2000  }
0x130: {  	[sflag:s0] =	ssyncset.done @!p0 $0x0  }
0x131: {  	s31 =	rddreg [dreg:$0x5];
	[sflag:s0] =	ssyncadd.s32 @!p0 $0xFFFFE000  }
0x132: {  	[tilespmem:s1], [sflag:$0x3] =	stream.linear.gather [hbm4b:s31+s1], $0x1000, $0x38;
	[tilespmem:$0x12000] =	vst v63  }
0x133: {  	_ =	swait.ge [sflag:s26], $0x1000  }
0x134: {  	[sflag:s26] =	ssyncset.done $0x0  }
0x135: {  	[sflag:s26] =	ssyncadd.s32 $0xFFFFF000  }
0x136: {  	[bflag:$0x0] =	sbarrier.arrive $0xFFFF  }
0x137: {  	[tilespmem:s10], [sflag:$0x1] =	stream.indirect.gather [spmem:s2], $0x80, s1, s8, $0xb8;
	[tilespmem:$0x12000] =	vst v63  }
0x138: {  	_ =	swait.ge [sflag:s6], $0x8000  }
0x139: {  	[sflag:s6] =	ssyncset.done $0x0  }
0x13a: {  	[sflag:s6] =	ssyncadd.s32 $0xFFFF8000  }
0x13b: {  	[hbm4b:s21+s1] =	stream.linear.scatter [tilespmem:s10], [sflag:$0x2], $0x8000, $0x38;
	[tilespmem:$0x12000] =	vst v63  }
0x13c: {  	_ = 	snop  }
0x13d: {  	[tilespmem:s7], [sflag:$0x1] =	stream.indirect.gather [spmem:s2], $0x80, s8, s8, $0xb8;
	[tilespmem:$0x12000] =	vst v63  }
0x13e: {  	_ =	swait.ge [sflag:s6], $0x8000  }
0x13f: {  	[sflag:s6] =	ssyncset.done $0x0  }
0x140: {  	s28 =	rddreg [dreg:$0x6];
	[sflag:s6] =	ssyncadd.s32 $0xFFFF8000  }
0x141: {  	[hbm4b:s28+s1] =	stream.linear.scatter [tilespmem:s7], [sflag:$0x2], $0x8000, $0x38;
	[tilespmem:$0x12000] =	vst v63  }
0x142: {  	_ =	swait.ge [sflag:s4], $0x8000  }
0x143: {  	[sflag:s4] =	ssyncset.done $0x0  }
0x144: {  	[sflag:s4] =	ssyncadd.s32 $0xFFFF8000  }
0x145: {  	[tilespmem:s10], [sflag:$0x1] =	stream.indirect.gather [spmem:s2], $0x80, s25, s8, $0xb8;
	[tilespmem:$0x12000] =	vst v63  }
0x146: {  	_ =	swait.ge [sflag:s6], $0x8000  }
0x147: {  	[sflag:s6] =	ssyncset.done $0x0  }
0x148: {  	s29 =	rddreg [dreg:$0x7];
	[sflag:s6] =	ssyncadd.s32 $0xFFFF8000  }
0x149: {  	[hbm4b:s29+s1] =	stream.linear.scatter [tilespmem:s10], [sflag:$0x2], $0x8000, $0x38;
	[tilespmem:$0x12000] =	vst v63  }
0x14a: {  	_ =	swait.ge [sflag:s4], $0x8000  }
0x14b: {  	[sflag:s4] =	ssyncset.done $0x0  }
0x14c: {  	[sflag:s4] =	ssyncadd.s32 $0xFFFF8000  }
0x14d: {  	[tilespmem:s7], [sflag:$0x1] =	stream.indirect.gather [spmem:s2], $0x80, s24, s8, $0xb8;
	[tilespmem:$0x12000] =	vst v63  }
0x14e: {  	_ =	swait.ge [sflag:s6], $0x8000  }
0x14f: {  	[sflag:s6] =	ssyncset.done $0x0  }
0x150: {  	s31 =	rddreg [dreg:$0x8];
	[sflag:s6] =	ssyncadd.s32 $0xFFFF8000  }
0x151: {  	[hbm4b:s31+s1] =	stream.linear.scatter [tilespmem:s7], [sflag:$0x2], $0x8000, $0x38;
	[tilespmem:$0x12000] =	vst v63  }
0x152: {  	_ =	swait.ge [sflag:s4], $0x8000  }
0x153: {  	[sflag:s4] =	ssyncset.done $0x0  }
0x154: {  	[sflag:s4] =	ssyncadd.s32 $0xFFFF8000  }
0x155: {  	[tilespmem:s10], [sflag:$0x1] =	stream.indirect.gather [spmem:s2], $0x80, s23, s8, $0xb8;
	[tilespmem:$0x12000] =	vst v63  }
0x156: {  	_ =	swait.ge [sflag:s6], $0x8000  }
0x157: {  	[sflag:s6] =	ssyncset.done $0x0  }
0x158: {  	s21 =	rddreg [dreg:$0x9];
	[sflag:s6] =	ssyncadd.s32 $0xFFFF8000  }
0x159: {  	[hbm4b:s21+s1] =	stream.linear.scatter [tilespmem:s10], [sflag:$0x2], $0x8000, $0x38;
	[tilespmem:$0x12000] =	vst v63  }
0x15a: {  	_ =	swait.ge [sflag:s4], $0x8000  }
0x15b: {  	[sflag:s4] =	ssyncset.done $0x0  }
0x15c: {  	[sflag:s4] =	ssyncadd.s32 $0xFFFF8000  }
0x15d: {  	[tilespmem:s7], [sflag:$0x1] =	stream.indirect.gather [spmem:s2], $0x80, s22, s8, $0xb8;
	[tilespmem:$0x12000] =	vst v63  }
0x15e: {  	_ =	swait.ge [sflag:s6], $0x8000  }
0x15f: {  	[sflag:s6] =	ssyncset.done $0x0  }
0x160: {  	s22 =	rddreg [dreg:$0xa];
	[sflag:s6] =	ssyncadd.s32 $0xFFFF8000  }
0x161: {  	[hbm4b:s22+s1] =	stream.linear.scatter [tilespmem:s7], [sflag:$0x2], $0x8000, $0x38;
	[tilespmem:$0x12000] =	vst v63  }
0x162: {  	_ =	swait.ge [sflag:s4], $0x8000  }
0x163: {  	[sflag:s4] =	ssyncset.done $0x0  }
0x164: {  	[sflag:s4] =	ssyncadd.s32 $0xFFFF8000  }
0x165: {  	[tilespmem:s10], [sflag:$0x1] =	stream.indirect.gather [spmem:s2], $0x80, s20, s8, $0xb8;
	[tilespmem:$0x12000] =	vst v63  }
0x166: {  	_ =	swait.ge [sflag:s6], $0x8000  }
0x167: {  	[sflag:s6] =	ssyncset.done $0x0  }
0x168: {  	s23 =	rddreg [dreg:$0xb];
	[sflag:s6] =	ssyncadd.s32 $0xFFFF8000  }
0x169: {  	[hbm4b:s23+s1] =	stream.linear.scatter [tilespmem:s10], [sflag:$0x2], $0x8000, $0x38;
	[tilespmem:$0x12000] =	vst v63  }
0x16a: {  	_ =	swait.ge [sflag:s4], $0x8000  }
0x16b: {  	[sflag:s4] =	ssyncset.done $0x0  }
0x16c: {  	[sflag:s4] =	ssyncadd.s32 $0xFFFF8000  }
0x16d: {  	[tilespmem:s7], [sflag:$0x1] =	stream.indirect.gather [spmem:s2], $0x80, s19, s8, $0xb8;
	[tilespmem:$0x12000] =	vst v63  }
0x16e: {  	_ =	swait.ge [sflag:s6], $0x8000  }
0x16f: {  	[sflag:s6] =	ssyncset.done $0x0  }
0x170: {  	s24 =	rddreg [dreg:$0xc];
	[sflag:s6] =	ssyncadd.s32 $0xFFFF8000  }
0x171: {  	[hbm4b:s24+s1] =	stream.linear.scatter [tilespmem:s7], [sflag:$0x2], $0x8000, $0x38;
	[tilespmem:$0x12000] =	vst v63  }
0x172: {  	_ =	swait.ge [sflag:s4], $0x8000  }
0x173: {  	[sflag:s4] =	ssyncset.done $0x0  }
0x174: {  	[sflag:s4] =	ssyncadd.s32 $0xFFFF8000  }
0x175: {  	[tilespmem:s10], [sflag:$0x1] =	stream.indirect.gather [spmem:s2], $0x80, s18, s8, $0xb8;
	[tilespmem:$0x12000] =	vst v63  }
0x176: {  	_ =	swait.ge [sflag:s6], $0x8000  }
0x177: {  	[sflag:s6] =	ssyncset.done $0x0  }
0x178: {  	s25 =	rddreg [dreg:$0xd];
	[sflag:s6] =	ssyncadd.s32 $0xFFFF8000  }
0x179: {  	[hbm4b:s25+s1] =	stream.linear.scatter [tilespmem:s10], [sflag:$0x2], $0x8000, $0x38;
	[tilespmem:$0x12000] =	vst v63  }
0x17a: {  	_ =	swait.ge [sflag:s4], $0x8000  }
0x17b: {  	[sflag:s4] =	ssyncset.done $0x0  }
0x17c: {  	[sflag:s4] =	ssyncadd.s32 $0xFFFF8000  }
0x17d: {  	[tilespmem:s7], [sflag:$0x1] =	stream.indirect.gather [spmem:s2], $0x80, s17, s8, $0xb8;
	[tilespmem:$0x12000] =	vst v63  }
0x17e: {  	_ =	swait.ge [sflag:s6], $0x8000  }
0x17f: {  	[sflag:s6] =	ssyncset.done $0x0  }
0x180: {  	s26 =	rddreg [dreg:$0xe];
	[sflag:s6] =	ssyncadd.s32 $0xFFFF8000  }
0x181: {  	[hbm4b:s26+s1] =	stream.linear.scatter [tilespmem:s7], [sflag:$0x2], $0x8000, $0x38;
	[tilespmem:$0x12000] =	vst v63  }
0x182: {  	_ =	swait.ge [sflag:s4], $0x8000  }
0x183: {  	[sflag:s4] =	ssyncset.done $0x0  }
0x184: {  	[sflag:s4] =	ssyncadd.s32 $0xFFFF8000  }
0x185: {  	[tilespmem:s10], [sflag:$0x1] =	stream.indirect.gather [spmem:s2], $0x80, s16, s8, $0xb8;
	[tilespmem:$0x12000] =	vst v63  }
0x186: {  	_ =	swait.ge [sflag:s6], $0x8000  }
0x187: {  	[sflag:s6] =	ssyncset.done $0x0  }
0x188: {  	s28 =	rddreg [dreg:$0xf];
	[sflag:s6] =	ssyncadd.s32 $0xFFFF8000  }
0x189: {  	[hbm4b:s28+s1] =	stream.linear.scatter [tilespmem:s10], [sflag:$0x2], $0x8000, $0x38;
	[tilespmem:$0x12000] =	vst v63  }
0x18a: {  	_ =	swait.ge [sflag:s4], $0x8000  }
0x18b: {  	[sflag:s4] =	ssyncset.done $0x0  }
0x18c: {  	[sflag:s4] =	ssyncadd.s32 $0xFFFF8000  }
0x18d: {  	[tilespmem:s7], [sflag:$0x1] =	stream.indirect.gather [spmem:s2], $0x80, s15, s8, $0xb8;
	[tilespmem:$0x12000] =	vst v63  }
0x18e: {  	_ =	swait.ge [sflag:s6], $0x8000  }
0x18f: {  	[sflag:s6] =	ssyncset.done $0x0  }
0x190: {  	s29 =	rddreg [dreg:$0x10];
	[sflag:s6] =	ssyncadd.s32 $0xFFFF8000  }
0x191: {  	[hbm4b:s29+s1] =	stream.linear.scatter [tilespmem:s7], [sflag:$0x2], $0x8000, $0x38;
	[tilespmem:$0x12000] =	vst v63  }
0x192: {  	_ =	swait.ge [sflag:s4], $0x8000  }
0x193: {  	[sflag:s4] =	ssyncset.done $0x0  }
0x194: {  	[sflag:s4] =	ssyncadd.s32 $0xFFFF8000  }
0x195: {  	[tilespmem:s10], [sflag:$0x1] =	stream.indirect.gather [spmem:s2], $0x80, s14, s8, $0xb8;
	[tilespmem:$0x12000] =	vst v63  }
0x196: {  	_ =	swait.ge [sflag:s6], $0x8000  }
0x197: {  	[sflag:s6] =	ssyncset.done $0x0  }
0x198: {  	s31 =	rddreg [dreg:$0x11];
	[sflag:s6] =	ssyncadd.s32 $0xFFFF8000  }
0x199: {  	[hbm4b:s31+s1] =	stream.linear.scatter [tilespmem:s10], [sflag:$0x2], $0x8000, $0x38;
	[tilespmem:$0x12000] =	vst v63  }
0x19a: {  	_ =	swait.ge [sflag:s4], $0x8000  }
0x19b: {  	[sflag:s4] =	ssyncset.done $0x0  }
0x19c: {  	[sflag:s4] =	ssyncadd.s32 $0xFFFF8000  }
0x19d: {  	[tilespmem:s7], [sflag:$0x1] =	stream.indirect.gather [spmem:s2], $0x80, s13, s8, $0xb8;
	[tilespmem:$0x12000] =	vst v63  }
0x19e: {  	_ =	swait.ge [sflag:s6], $0x8000  }
0x19f: {  	[sflag:s6] =	ssyncset.done $0x0  }
0x1a0: {  	[sflag:s6] =	ssyncadd.s32 $0xFFFF8000  }
0x1a1: {  	[hbm4b:s9+s1] =	stream.linear.scatter [tilespmem:s7], [sflag:$0x2], $0x8000, $0x38;
	[tilespmem:$0x12000] =	vst v63  }
0x1a2: {  	_ =	swait.ge [sflag:s4], $0x8000  }
0x1a3: {  	[sflag:s4] =	ssyncset.done $0x0  }
0x1a4: {  	[sflag:s4] =	ssyncadd.s32 $0xFFFF8000  }
0x1a5: {  	[tilespmem:s10], [sflag:$0x1] =	stream.indirect.gather [spmem:s2], $0x80, s12, s8, $0xb8;
	[tilespmem:$0x12000] =	vst v63  }
0x1a6: {  	_ =	swait.ge [sflag:s6], $0x8000  }
0x1a7: {  	[sflag:s6] =	ssyncset.done $0x0  }
0x1a8: {  	[sflag:s6] =	ssyncadd.s32 $0xFFFF8000  }
0x1a9: {  	[hbm4b:s5+s1] =	stream.linear.scatter [tilespmem:s10], [sflag:$0x2], $0x8000, $0x38;
	[tilespmem:$0x12000] =	vst v63  }
0x1aa: {  	_ =	swait.ge [sflag:s4], $0x8000  }
0x1ab: {  	[sflag:s4] =	ssyncset.done $0x0  }
0x1ac: {  	[sflag:s4] =	ssyncadd.s32 $0xFFFF8000  }
0x1ad: {  	[tilespmem:s7], [sflag:$0x1] =	stream.indirect.gather [spmem:s2], $0x80, s11, s8, $0xb8;
	[tilespmem:$0x12000] =	vst v63  }
0x1ae: {  	_ =	swait.ge [sflag:s6], $0x8000  }
0x1af: {  	[sflag:s6] =	ssyncset.done $0x0  }
0x1b0: {  	[sflag:s6] =	ssyncadd.s32 $0xFFFF8000  }
0x1b1: {  	[hbm4b:s3+s1] =	stream.linear.scatter [tilespmem:s7], [sflag:$0x2], $0x8000, $0x38;
	[tilespmem:$0x12000] =	vst v63  }
0x1b2: {  	_ =	swait.ge [sflag:s4], $0x8000  }
0x1b3: {  	[sflag:s4] =	ssyncset.done $0x0  }
0x1b4: {  	[sflag:s4] =	ssyncadd.s32 $0xFFFF8000  }
0x1b5: {  	_ =	sfence.sel $0x180000  }
0x1b6: {  	[bflag:$0x0] =	sbarrier.arrive $0xFFFF  }
0x1b7: {  	_ =	strace $0x90000047  }
0x1b8: {  	s0 =	sadd.s32 @!p0 $0x100000, s30;
	[bflag:$0x2] =	sbarrier.arrive $0xFFFF  }
0x1b9: {  	[sflag:s0] =	ssyncadd.tile.s32 @!p0 $0x1;
	_ =	shalt  }
.LBB2_2:
.Ltmp3:
0x1ba: {  	(pc) =	sbr.rel .LBB2_5-.Ltmp3, $2  }
0x1bb: {  	_ =	sdelay $0x2  }
0x1bc: {  	s30 =	rddreg [dreg:$0x3]  }
.Lfunc_end2:
_tile_overlayer_lowered:
.L_overlay_start_2:
0x1bd: {  	(tag) =	ssettag $0x2  }
0x1be: {  	s0 =	rddreg [dreg:$0x0];
	s2 =	stileid.u32  }
0x1bf: {  	s1 =	rddreg [dreg:$0x1];
	p0 =	sne.s32 s2, $0x0  }
0x1c0: {  	s3 =	rddreg [dreg:$0x2];
	[bflag:$0x3] =	sbarrier.arrive $0xFFFF;
	s2 =	simm.s32 @!p0 $0x1C03  }
0x1c1: {  	[timem:s3], [sflag:s2] =	dma.local @!p0 [hbm:s0], s1  }
0x1c2: {  	s0 =	simm.s32 @!p0 $0x3  }
0x1c3: {  	_ =	swait.ge @!p0 [sflag:s0], s1  }
0x1c4: {  	s1 =	ssub.s32 @!p0 $0x0, s1;
	[sflag:s0] =	ssyncset.done @!p0 $0x0  }
0x1c5: {  	[sflag:s0] =	ssyncadd.s32 @!p0 s1  }
0x1c6: {  	[bflag:$0x3] =	sbarrier.arrive $0xFFFF  }
0x1c7: {  	_ =	shalt  }

</sc_bundles>
